<compile_context>
chip_gen: v7x
topology: tpu7x:2x2x1
jax: 0.10.2.dev20260603
libtpu: 0.0.44.dev20260713+nightly
codegen_flags: <defaults>
</compile_context>

<pallas_src>
import functools

import jax
import jax.numpy as jnp
from jax import lax
from jax.experimental import pallas as pl
from jax.experimental.pallas import tpu as pltpu
from jax.experimental.pallas import tpu_sc as plsc

B = 4096
S = 200
D = 32
V = 1000000
NC = 2
NS = 16
NW = NC * NS
BBLK = B // NW
SBLK = 8
NBLK = S // SBLK
LANES = 16


@functools.partial(
    pl.kernel,
    out_type=jax.ShapeDtypeStruct((S, D // 8, NW, 8, BBLK), jnp.float32),
    mesh=plsc.VectorSubcoreMesh(core_axis_name="c", subcore_axis_name="s"),
    scratch_types=[
        pltpu.VMEM((2, 1, 1, SBLK, BBLK), jnp.int32),
        pltpu.VMEM((2, SBLK, BBLK, D), jnp.float32),
        pltpu.VMEM((SBLK, D // 8, 1, 8, BBLK), jnp.float32),
        pltpu.VMEM((S, D), jnp.float32),
        pltpu.SemaphoreType.DMA,
        pltpu.SemaphoreType.DMA,
    ],
    compiler_params=pltpu.CompilerParams(
        use_tc_tiling_on_sc=False, needs_layout_passes=False
    ),
)
def _emb_lookup(xt_hbm, emb_hbm, pos_hbm, out_hbm, idx_v, rows_v, trans_v,
                pos_v, sem0, sem1):
    wid = lax.axis_index("s") * NC + lax.axis_index("c")
    pltpu.sync_copy(pos_hbm, pos_v)
    lane = lax.iota(jnp.int32, LANES)
    zero16 = jnp.zeros((LANES,), jnp.int32)
    sems = [sem0, sem1]

    def issue(slot, blk, sem):
        pltpu.sync_copy(
            xt_hbm.at[pl.ds(blk, 1), pl.ds(wid, 1)], idx_v.at[slot]
        )
        for i in range(SBLK):
            pltpu.async_copy(
                emb_hbm.at[idx_v.at[slot, 0, 0, i]], rows_v.at[slot, i], sem
            )

    issue(0, 0, sem0)

    def block_body(blk, _):
        slot = blk & 1
        nxt = jnp.minimum(blk + 1, NBLK - 1)
        s0 = blk * SBLK

        for half, sem in enumerate(sems):
            @pl.when(slot != half)
            def _():
                issue(1 - slot, nxt, sem)

        for half, sem in enumerate(sems):
            @pl.when(slot == half)
            def _():
                for i in range(SBLK):
                    pltpu.make_async_copy(
                        emb_hbm.at[idx_v.at[slot, 0, 0, i]],
                        rows_v.at[slot, i],
                        sem,
                    ).wait()

        def seq_body(i, _):
            src = rows_v.at[slot, i]
            dst = trans_v.at[i]
            srow = jnp.broadcast_to(s0 + i, (LANES,))

            @plsc.parallel_loop(0, D, unroll=2)
            def dloop(t):
                tt = jnp.broadcast_to(t, (LANES,))
                dcol = (tt & 16) + ((lane + tt) & 15)
                p = plsc.load_gather(pos_v, [srow, dcol])
                dblk = dcol >> 3
                dsub = dcol & 7
                for jg in range(BBLK // LANES):
                    brow = jg * LANES + lane
                    val = plsc.load_gather(src, [brow, dcol]) + p
                    plsc.store_scatter(dst, [dblk, zero16, dsub, brow], val)

            return 0

        lax.fori_loop(0, SBLK, seq_body, 0)
        pltpu.sync_copy(
            trans_v,
            out_hbm.at[pl.ds(s0, SBLK), :, pl.ds(wid, 1)],
        )
        return 0

    lax.fori_loop(0, NBLK, block_body, 0)
    for i in range(SBLK):
        pltpu.make_async_copy(
            emb_hbm.at[idx_v.at[1, 0, 0, i]], rows_v.at[1, i], sem1
        ).wait()


def kernel(x, embedding, pos_embedding):
    x4 = x.reshape(NW, BBLK, NBLK, SBLK).transpose(2, 0, 3, 1)
    out5 = _emb_lookup(x4, embedding, pos_embedding)
    return out5.transpose(2, 4, 0, 1, 3).reshape(B, S, D)

# --- scband reference (transcript-rebuilt; emitter-appended) ---
"""Pipeline reference for scband-master-embedding-simple-73400991089366 (READ-ONLY COPY).

The authoritative reference and input builder live on the scoring server;
editing this copy changes nothing except your own understanding.
"""

import jax, jax.numpy as jnp
import numpy as np

VOCAB = 1000000
EMBED_DIM = 32
CTX = 200
BATCH = 4096
SEQ = 200

def setup_inputs(seed: int = 0) -> dict:
    key = jax.random.key(seed)
    k1, k2, k3 = jax.random.split(key, 3)
    x = jax.random.randint(k1, (BATCH, SEQ), 0, VOCAB, dtype=jnp.int64 if jax.config.jax_enable_x64 else jnp.int32).astype(jnp.int32)
    embedding = jax.random.normal(k2, (VOCAB, EMBED_DIM), dtype=jnp.float32)
    pos_embedding = jax.random.normal(k3, (CTX, EMBED_DIM), dtype=jnp.float32)
    return {"x": x, "embedding": embedding, "pos_embedding": pos_embedding}

def reference(x, embedding, pos_embedding):
    seq_len = x.shape[-1]
    pos_ids = jnp.arange(seq_len)[None, :]
    token_emb = jnp.take(embedding, x, axis=0)
    pos_emb = jnp.take(pos_embedding, pos_ids, axis=0)
    return token_emb + pos_emb

if __name__ == "__main__":
    import jax
    _d = setup_inputs()
    print(jax.jit(kernel)(*tuple(_d.values())))

</pallas_src>

<mosaic_0001>
#map = affine_map<(d0, d1) -> (0, 0, 0, 0)>
#map1 = affine_map<(d0, d1) -> (0, 0)>
#map2 = affine_map<(d0, d1) -> (0, 0, 0, 0, 0)>
module attributes {stable_mosaic.version = 14 : i64} {
  func.func @_emb_lookup(%arg0: i32, %arg1: i32, %arg2: memref<25x32x8x128xi32, #tpu.memory_space<hbm>>, %arg3: memref<1000000x32xf32, #tpu.memory_space<hbm>>, %arg4: memref<200x32xf32, #tpu.memory_space<hbm>>, %arg5: memref<200x4x32x8x128xf32, #tpu.memory_space<hbm>>, %arg6: memref<2x1x1x8x128xi32, #tpu.memory_space<vmem>>, %arg7: memref<2x8x128x32xf32, #tpu.memory_space<vmem>>, %arg8: memref<8x4x1x8x128xf32, #tpu.memory_space<vmem>>, %arg9: memref<200x32xf32, #tpu.memory_space<vmem>>, %arg10: memref<!tpu.dma_semaphore, #tpu.memory_space<semaphore_mem>>, %arg11: memref<!tpu.dma_semaphore, #tpu.memory_space<semaphore_mem>>) attributes {dimension_semantics = [#tpu.dimension_semantics<core_parallel>, #tpu.dimension_semantics<subcore_parallel>], iteration_bounds = array<i64: 2, 16>, scalar_prefetch = 0 : i64, scratch_operands = 6 : i64, tpu.core_type = #tpu.core_type<sc_vector_subcore>, window_params = [{transform_indices = #map}, {transform_indices = #map1}, {transform_indices = #map1}, {transform_indices = #map2}]} {
    %mul3A = arith.constant 2 : i32
    %mul3A_0 = arith.muli %arg1, %mul3A : i32
    %add3A = arith.addi %mul3A_0, %arg0 : i32
    "tpu.region"() ({
      %run_scoped3A_262 = tpu.sem_alloc : memref<!tpu.dma_semaphore, #tpu.memory_space<semaphore_mem>>
      tpu.enqueue_dma source(%arg4 : memref<200x32xf32, #tpu.memory_space<hbm>>) target(%arg9 : memref<200x32xf32, #tpu.memory_space<vmem>>) target_semaphore(%run_scoped3A_262 : memref<!tpu.dma_semaphore, #tpu.memory_space<semaphore_mem>>)
      tpu.wait_dma2 semaphore(%run_scoped3A_262 : memref<!tpu.dma_semaphore, #tpu.memory_space<semaphore_mem>>) src(%arg4 : memref<200x32xf32, #tpu.memory_space<hbm>>) dst(%arg9 : memref<200x32xf32, #tpu.memory_space<vmem>>)
      tpu.yield
    }) : () -> ()
    %iota3A = tpu.iota {dimensions = array<i32: 0>} : vector<16xi32>
    %broadcast_in_dim3A = arith.constant 0 : i32
    %broadcast_in_dim3A_1 = vector.broadcast %broadcast_in_dim3A : i32 to vector<16xi32>
    %run_scoped3A = arith.constant 0 : i32
    "tpu.region"() ({
      %run_scoped3A_262 = tpu.sem_alloc : memref<!tpu.dma_semaphore, #tpu.memory_space<semaphore_mem>>
      %dma_start3A_263 = arith.constant 0 : i32
      %dma_start3A_264 = arith.constant 0 : i32
      %dma_start3A_265 = arith.constant 0 : i32
      %dma_start3A_266 = arith.constant 0 : i32
      %dma_start3A_267 = tpu.memref_slice %arg6[%run_scoped3A, %dma_start3A_263, %dma_start3A_264, %dma_start3A_265, %dma_start3A_266] : memref<2x1x1x8x128xi32, #tpu.memory_space<vmem>> -> memref<1x1x1x8x128xi32, #tpu.memory_space<vmem>>
      %dma_start3A_268 = tpu.memref_squeeze %dma_start3A_267 : memref<1x1x1x8x128xi32, #tpu.memory_space<vmem>> -> memref<1x1x8x128xi32, #tpu.memory_space<vmem>>
      %dma_start3A_269 = arith.constant 0 : i32
      %dma_start3A_270 = arith.constant 0 : i32
      %dma_start3A_271 = arith.constant 0 : i32
      %dma_start3A_272 = tpu.memref_slice %arg2[%dma_start3A_269, %add3A, %dma_start3A_270, %dma_start3A_271] : memref<25x32x8x128xi32, #tpu.memory_space<hbm>> -> memref<1x1x8x128xi32, #tpu.memory_space<hbm>>
      %dma_start3A_273 = arith.constant 0 : i32
      %dma_start3A_274 = arith.constant 0 : i32
      %dma_start3A_275 = arith.constant 0 : i32
      %dma_start3A_276 = arith.constant 0 : i32
      %dma_start3A_277 = tpu.memref_slice %arg6[%run_scoped3A, %dma_start3A_273, %dma_start3A_274, %dma_start3A_275, %dma_start3A_276] : memref<2x1x1x8x128xi32, #tpu.memory_space<vmem>> -> memref<1x1x1x8x128xi32, #tpu.memory_space<vmem>>
      %dma_start3A_278 = tpu.memref_squeeze %dma_start3A_277 : memref<1x1x1x8x128xi32, #tpu.memory_space<vmem>> -> memref<1x1x8x128xi32, #tpu.memory_space<vmem>>
      %dma_start3A_279 = arith.constant 0 : i32
      %dma_start3A_280 = arith.constant 0 : i32
      %dma_start3A_281 = arith.constant 0 : i32
      %dma_start3A_282 = tpu.memref_slice %arg2[%dma_start3A_279, %add3A, %dma_start3A_280, %dma_start3A_281] : memref<25x32x8x128xi32, #tpu.memory_space<hbm>> -> memref<1x1x8x128xi32, #tpu.memory_space<hbm>>
      tpu.enqueue_dma source(%dma_start3A_282 : memref<1x1x8x128xi32, #tpu.memory_space<hbm>>) target(%dma_start3A_278 : memref<1x1x8x128xi32, #tpu.memory_space<vmem>>) target_semaphore(%run_scoped3A_262 : memref<!tpu.dma_semaphore, #tpu.memory_space<semaphore_mem>>)
      %dma_wait3A_283 = arith.constant 0 : i32
      %dma_wait3A_284 = arith.constant 0 : i32
      %dma_wait3A_285 = arith.constant 0 : i32
      %dma_wait3A_286 = arith.constant 0 : i32
      %dma_wait3A_287 = tpu.memref_slice %arg6[%run_scoped3A, %dma_wait3A_283, %dma_wait3A_284, %dma_wait3A_285, %dma_wait3A_286] : memref<2x1x1x8x128xi32, #tpu.memory_space<vmem>> -> memref<1x1x1x8x128xi32, #tpu.memory_space<vmem>>
      %dma_wait3A_288 = tpu.memref_squeeze %dma_wait3A_287 : memref<1x1x1x8x128xi32, #tpu.memory_space<vmem>> -> memref<1x1x8x128xi32, #tpu.memory_space<vmem>>
      %dma_wait3A_289 = arith.constant 0 : i32
      %dma_wait3A_290 = arith.constant 0 : i32
      %dma_wait3A_291 = arith.constant 0 : i32
      %dma_wait3A_292 = tpu.memref_slice %arg2[%dma_wait3A_289, %add3A, %dma_wait3A_290, %dma_wait3A_291] : memref<25x32x8x128xi32, #tpu.memory_space<hbm>> -> memref<1x1x8x128xi32, #tpu.memory_space<hbm>>
      %dma_wait3A_293 = arith.constant 0 : i32
      %dma_wait3A_294 = arith.constant 0 : i32
      %dma_wait3A_295 = arith.constant 0 : i32
      %dma_wait3A_296 = arith.constant 0 : i32
      %dma_wait3A_297 = tpu.memref_slice %arg6[%run_scoped3A, %dma_wait3A_293, %dma_wait3A_294, %dma_wait3A_295, %dma_wait3A_296] : memref<2x1x1x8x128xi32, #tpu.memory_space<vmem>> -> memref<1x1x1x8x128xi32, #tpu.memory_space<vmem>>
      %dma_wait3A_298 = tpu.memref_squeeze %dma_wait3A_297 : memref<1x1x1x8x128xi32, #tpu.memory_space<vmem>> -> memref<1x1x8x128xi32, #tpu.memory_space<vmem>>
      %dma_wait3A_299 = arith.constant 0 : i32
      %dma_wait3A_300 = arith.constant 0 : i32
      %dma_wait3A_301 = arith.constant 0 : i32
      %dma_wait3A_302 = tpu.memref_slice %arg2[%dma_wait3A_299, %add3A, %dma_wait3A_300, %dma_wait3A_301] : memref<25x32x8x128xi32, #tpu.memory_space<hbm>> -> memref<1x1x8x128xi32, #tpu.memory_space<hbm>>
      tpu.wait_dma2 semaphore(%run_scoped3A_262 : memref<!tpu.dma_semaphore, #tpu.memory_space<semaphore_mem>>) src(%dma_wait3A_302 : memref<1x1x8x128xi32, #tpu.memory_space<hbm>>) dst(%dma_wait3A_298 : memref<1x1x8x128xi32, #tpu.memory_space<vmem>>)
      tpu.yield
    }) : () -> ()
    %dma_start3A = arith.constant 0 : i32
    %dma_start3A_2 = arith.constant 0 : i32
    %dma_start3A_3 = arith.constant 0 : i32
    %dma_start3A_4 = arith.constant 0 : i32
    %dma_start3A_5 = arith.constant 0 : i32
    %dma_start3A_6 = arith.constant 0 : i32
    %dma_start3A_7 = arith.constant 0 : i32
    %dma_start3A_8 = arith.constant 0 : i32
    %dma_start3A_9 = tpu.memref_slice %arg7[%dma_start3A_5, %dma_start3A_6, %dma_start3A_7, %dma_start3A_8] : memref<2x8x128x32xf32, #tpu.memory_space<vmem>> -> memref<1x1x128x32xf32, #tpu.memory_space<vmem>>
    %dma_start3A_10 = tpu.memref_squeeze %dma_start3A_9 : memref<1x1x128x32xf32, #tpu.memory_space<vmem>> -> memref<128x32xf32, #tpu.memory_space<vmem>>
    %dma_start3A_11 = arith.constant 0 : i32
    %dma_start3A_12 = tpu.memref_slice %arg6[%dma_start3A, %dma_start3A_2, %dma_start3A_3, %dma_start3A_4, %dma_start3A_11] : memref<2x1x1x8x128xi32, #tpu.memory_space<vmem>> -> memref<1x1x1x1x128xi32, #tpu.memory_space<vmem>>
    %dma_start3A_13 = tpu.memref_squeeze %dma_start3A_12 : memref<1x1x1x1x128xi32, #tpu.memory_space<vmem>> -> memref<128xi32, #tpu.memory_space<vmem>>
    %dma_start3A_14 = arith.constant 0 : i32
    %dma_start3A_15 = arith.constant 0 : i32
    %dma_start3A_16 = tpu.memref_slice %arg3[%dma_start3A_14, %dma_start3A_15] : memref<1000000x32xf32, #tpu.memory_space<hbm>> -> memref<1000000x32xf32, #tpu.memory_space<hbm>>
    tpu.enqueue_indirect_dma source(%dma_start3A_16 : memref<1000000x32xf32, #tpu.memory_space<hbm>>) target(%dma_start3A_10 : memref<128x32xf32, #tpu.memory_space<vmem>>) offsets(%dma_start3A_13 : memref<128xi32, #tpu.memory_space<vmem>>) semaphore(%arg10 : memref<!tpu.dma_semaphore, #tpu.memory_space<semaphore_mem>>)
    %dma_start3A_17 = arith.constant 0 : i32
    %dma_start3A_18 = arith.constant 0 : i32
    %dma_start3A_19 = arith.constant 0 : i32
    %dma_start3A_20 = arith.constant 1 : i32
    %dma_start3A_21 = arith.constant 0 : i32
    %dma_start3A_22 = arith.constant 1 : i32
    %dma_start3A_23 = arith.constant 0 : i32
    %dma_start3A_24 = arith.constant 0 : i32
    %dma_start3A_25 = tpu.memref_slice %arg7[%dma_start3A_21, %dma_start3A_22, %dma_start3A_23, %dma_start3A_24] : memref<2x8x128x32xf32, #tpu.memory_space<vmem>> -> memref<1x1x128x32xf32, #tpu.memory_space<vmem>>
    %dma_start3A_26 = tpu.memref_squeeze %dma_start3A_25 : memref<1x1x128x32xf32, #tpu.memory_space<vmem>> -> memref<128x32xf32, #tpu.memory_space<vmem>>
    %dma_start3A_27 = arith.constant 0 : i32
    %dma_start3A_28 = tpu.memref_slice %arg6[%dma_start3A_17, %dma_start3A_18, %dma_start3A_19, %dma_start3A_20, %dma_start3A_27] : memref<2x1x1x8x128xi32, #tpu.memory_space<vmem>> -> memref<1x1x1x1x128xi32, #tpu.memory_space<vmem>>
    %dma_start3A_29 = tpu.memref_squeeze %dma_start3A_28 : memref<1x1x1x1x128xi32, #tpu.memory_space<vmem>> -> memref<128xi32, #tpu.memory_space<vmem>>
    %dma_start3A_30 = arith.constant 0 : i32
    %dma_start3A_31 = arith.constant 0 : i32
    %dma_start3A_32 = tpu.memref_slice %arg3[%dma_start3A_30, %dma_start3A_31] : memref<1000000x32xf32, #tpu.memory_space<hbm>> -> memref<1000000x32xf32, #tpu.memory_space<hbm>>
    tpu.enqueue_indirect_dma source(%dma_start3A_32 : memref<1000000x32xf32, #tpu.memory_space<hbm>>) target(%dma_start3A_26 : memref<128x32xf32, #tpu.memory_space<vmem>>) offsets(%dma_start3A_29 : memref<128xi32, #tpu.memory_space<vmem>>) semaphore(%arg10 : memref<!tpu.dma_semaphore, #tpu.memory_space<semaphore_mem>>)
    %dma_start3A_33 = arith.constant 0 : i32
    %dma_start3A_34 = arith.constant 0 : i32
    %dma_start3A_35 = arith.constant 0 : i32
    %dma_start3A_36 = arith.constant 2 : i32
    %dma_start3A_37 = arith.constant 0 : i32
    %dma_start3A_38 = arith.constant 2 : i32
    %dma_start3A_39 = arith.constant 0 : i32
    %dma_start3A_40 = arith.constant 0 : i32
    %dma_start3A_41 = tpu.memref_slice %arg7[%dma_start3A_37, %dma_start3A_38, %dma_start3A_39, %dma_start3A_40] : memref<2x8x128x32xf32, #tpu.memory_space<vmem>> -> memref<1x1x128x32xf32, #tpu.memory_space<vmem>>
    %dma_start3A_42 = tpu.memref_squeeze %dma_start3A_41 : memref<1x1x128x32xf32, #tpu.memory_space<vmem>> -> memref<128x32xf32, #tpu.memory_space<vmem>>
    %dma_start3A_43 = arith.constant 0 : i32
    %dma_start3A_44 = tpu.memref_slice %arg6[%dma_start3A_33, %dma_start3A_34, %dma_start3A_35, %dma_start3A_36, %dma_start3A_43] : memref<2x1x1x8x128xi32, #tpu.memory_space<vmem>> -> memref<1x1x1x1x128xi32, #tpu.memory_space<vmem>>
    %dma_start3A_45 = tpu.memref_squeeze %dma_start3A_44 : memref<1x1x1x1x128xi32, #tpu.memory_space<vmem>> -> memref<128xi32, #tpu.memory_space<vmem>>
    %dma_start3A_46 = arith.constant 0 : i32
    %dma_start3A_47 = arith.constant 0 : i32
    %dma_start3A_48 = tpu.memref_slice %arg3[%dma_start3A_46, %dma_start3A_47] : memref<1000000x32xf32, #tpu.memory_space<hbm>> -> memref<1000000x32xf32, #tpu.memory_space<hbm>>
    tpu.enqueue_indirect_dma source(%dma_start3A_48 : memref<1000000x32xf32, #tpu.memory_space<hbm>>) target(%dma_start3A_42 : memref<128x32xf32, #tpu.memory_space<vmem>>) offsets(%dma_start3A_45 : memref<128xi32, #tpu.memory_space<vmem>>) semaphore(%arg10 : memref<!tpu.dma_semaphore, #tpu.memory_space<semaphore_mem>>)
    %dma_start3A_49 = arith.constant 0 : i32
    %dma_start3A_50 = arith.constant 0 : i32
    %dma_start3A_51 = arith.constant 0 : i32
    %dma_start3A_52 = arith.constant 3 : i32
    %dma_start3A_53 = arith.constant 0 : i32
    %dma_start3A_54 = arith.constant 3 : i32
    %dma_start3A_55 = arith.constant 0 : i32
    %dma_start3A_56 = arith.constant 0 : i32
    %dma_start3A_57 = tpu.memref_slice %arg7[%dma_start3A_53, %dma_start3A_54, %dma_start3A_55, %dma_start3A_56] : memref<2x8x128x32xf32, #tpu.memory_space<vmem>> -> memref<1x1x128x32xf32, #tpu.memory_space<vmem>>
    %dma_start3A_58 = tpu.memref_squeeze %dma_start3A_57 : memref<1x1x128x32xf32, #tpu.memory_space<vmem>> -> memref<128x32xf32, #tpu.memory_space<vmem>>
    %dma_start3A_59 = arith.constant 0 : i32
    %dma_start3A_60 = tpu.memref_slice %arg6[%dma_start3A_49, %dma_start3A_50, %dma_start3A_51, %dma_start3A_52, %dma_start3A_59] : memref<2x1x1x8x128xi32, #tpu.memory_space<vmem>> -> memref<1x1x1x1x128xi32, #tpu.memory_space<vmem>>
    %dma_start3A_61 = tpu.memref_squeeze %dma_start3A_60 : memref<1x1x1x1x128xi32, #tpu.memory_space<vmem>> -> memref<128xi32, #tpu.memory_space<vmem>>
    %dma_start3A_62 = arith.constant 0 : i32
    %dma_start3A_63 = arith.constant 0 : i32
    %dma_start3A_64 = tpu.memref_slice %arg3[%dma_start3A_62, %dma_start3A_63] : memref<1000000x32xf32, #tpu.memory_space<hbm>> -> memref<1000000x32xf32, #tpu.memory_space<hbm>>
    tpu.enqueue_indirect_dma source(%dma_start3A_64 : memref<1000000x32xf32, #tpu.memory_space<hbm>>) target(%dma_start3A_58 : memref<128x32xf32, #tpu.memory_space<vmem>>) offsets(%dma_start3A_61 : memref<128xi32, #tpu.memory_space<vmem>>) semaphore(%arg10 : memref<!tpu.dma_semaphore, #tpu.memory_space<semaphore_mem>>)
    %dma_start3A_65 = arith.constant 0 : i32
    %dma_start3A_66 = arith.constant 0 : i32
    %dma_start3A_67 = arith.constant 0 : i32
    %dma_start3A_68 = arith.constant 4 : i32
    %dma_start3A_69 = arith.constant 0 : i32
    %dma_start3A_70 = arith.constant 4 : i32
    %dma_start3A_71 = arith.constant 0 : i32
    %dma_start3A_72 = arith.constant 0 : i32
    %dma_start3A_73 = tpu.memref_slice %arg7[%dma_start3A_69, %dma_start3A_70, %dma_start3A_71, %dma_start3A_72] : memref<2x8x128x32xf32, #tpu.memory_space<vmem>> -> memref<1x1x128x32xf32, #tpu.memory_space<vmem>>
    %dma_start3A_74 = tpu.memref_squeeze %dma_start3A_73 : memref<1x1x128x32xf32, #tpu.memory_space<vmem>> -> memref<128x32xf32, #tpu.memory_space<vmem>>
    %dma_start3A_75 = arith.constant 0 : i32
    %dma_start3A_76 = tpu.memref_slice %arg6[%dma_start3A_65, %dma_start3A_66, %dma_start3A_67, %dma_start3A_68, %dma_start3A_75] : memref<2x1x1x8x128xi32, #tpu.memory_space<vmem>> -> memref<1x1x1x1x128xi32, #tpu.memory_space<vmem>>
    %dma_start3A_77 = tpu.memref_squeeze %dma_start3A_76 : memref<1x1x1x1x128xi32, #tpu.memory_space<vmem>> -> memref<128xi32, #tpu.memory_space<vmem>>
    %dma_start3A_78 = arith.constant 0 : i32
    %dma_start3A_79 = arith.constant 0 : i32
    %dma_start3A_80 = tpu.memref_slice %arg3[%dma_start3A_78, %dma_start3A_79] : memref<1000000x32xf32, #tpu.memory_space<hbm>> -> memref<1000000x32xf32, #tpu.memory_space<hbm>>
    tpu.enqueue_indirect_dma source(%dma_start3A_80 : memref<1000000x32xf32, #tpu.memory_space<hbm>>) target(%dma_start3A_74 : memref<128x32xf32, #tpu.memory_space<vmem>>) offsets(%dma_start3A_77 : memref<128xi32, #tpu.memory_space<vmem>>) semaphore(%arg10 : memref<!tpu.dma_semaphore, #tpu.memory_space<semaphore_mem>>)
    %dma_start3A_81 = arith.constant 0 : i32
    %dma_start3A_82 = arith.constant 0 : i32
    %dma_start3A_83 = arith.constant 0 : i32
    %dma_start3A_84 = arith.constant 5 : i32
    %dma_start3A_85 = arith.constant 0 : i32
    %dma_start3A_86 = arith.constant 5 : i32
    %dma_start3A_87 = arith.constant 0 : i32
    %dma_start3A_88 = arith.constant 0 : i32
    %dma_start3A_89 = tpu.memref_slice %arg7[%dma_start3A_85, %dma_start3A_86, %dma_start3A_87, %dma_start3A_88] : memref<2x8x128x32xf32, #tpu.memory_space<vmem>> -> memref<1x1x128x32xf32, #tpu.memory_space<vmem>>
    %dma_start3A_90 = tpu.memref_squeeze %dma_start3A_89 : memref<1x1x128x32xf32, #tpu.memory_space<vmem>> -> memref<128x32xf32, #tpu.memory_space<vmem>>
    %dma_start3A_91 = arith.constant 0 : i32
    %dma_start3A_92 = tpu.memref_slice %arg6[%dma_start3A_81, %dma_start3A_82, %dma_start3A_83, %dma_start3A_84, %dma_start3A_91] : memref<2x1x1x8x128xi32, #tpu.memory_space<vmem>> -> memref<1x1x1x1x128xi32, #tpu.memory_space<vmem>>
    %dma_start3A_93 = tpu.memref_squeeze %dma_start3A_92 : memref<1x1x1x1x128xi32, #tpu.memory_space<vmem>> -> memref<128xi32, #tpu.memory_space<vmem>>
    %dma_start3A_94 = arith.constant 0 : i32
    %dma_start3A_95 = arith.constant 0 : i32
    %dma_start3A_96 = tpu.memref_slice %arg3[%dma_start3A_94, %dma_start3A_95] : memref<1000000x32xf32, #tpu.memory_space<hbm>> -> memref<1000000x32xf32, #tpu.memory_space<hbm>>
    tpu.enqueue_indirect_dma source(%dma_start3A_96 : memref<1000000x32xf32, #tpu.memory_space<hbm>>) target(%dma_start3A_90 : memref<128x32xf32, #tpu.memory_space<vmem>>) offsets(%dma_start3A_93 : memref<128xi32, #tpu.memory_space<vmem>>) semaphore(%arg10 : memref<!tpu.dma_semaphore, #tpu.memory_space<semaphore_mem>>)
    %dma_start3A_97 = arith.constant 0 : i32
    %dma_start3A_98 = arith.constant 0 : i32
    %dma_start3A_99 = arith.constant 0 : i32
    %dma_start3A_100 = arith.constant 6 : i32
    %dma_start3A_101 = arith.constant 0 : i32
    %dma_start3A_102 = arith.constant 6 : i32
    %dma_start3A_103 = arith.constant 0 : i32
    %dma_start3A_104 = arith.constant 0 : i32
    %dma_start3A_105 = tpu.memref_slice %arg7[%dma_start3A_101, %dma_start3A_102, %dma_start3A_103, %dma_start3A_104] : memref<2x8x128x32xf32, #tpu.memory_space<vmem>> -> memref<1x1x128x32xf32, #tpu.memory_space<vmem>>
    %dma_start3A_106 = tpu.memref_squeeze %dma_start3A_105 : memref<1x1x128x32xf32, #tpu.memory_space<vmem>> -> memref<128x32xf32, #tpu.memory_space<vmem>>
    %dma_start3A_107 = arith.constant 0 : i32
    %dma_start3A_108 = tpu.memref_slice %arg6[%dma_start3A_97, %dma_start3A_98, %dma_start3A_99, %dma_start3A_100, %dma_start3A_107] : memref<2x1x1x8x128xi32, #tpu.memory_space<vmem>> -> memref<1x1x1x1x128xi32, #tpu.memory_space<vmem>>
    %dma_start3A_109 = tpu.memref_squeeze %dma_start3A_108 : memref<1x1x1x1x128xi32, #tpu.memory_space<vmem>> -> memref<128xi32, #tpu.memory_space<vmem>>
    %dma_start3A_110 = arith.constant 0 : i32
    %dma_start3A_111 = arith.constant 0 : i32
    %dma_start3A_112 = tpu.memref_slice %arg3[%dma_start3A_110, %dma_start3A_111] : memref<1000000x32xf32, #tpu.memory_space<hbm>> -> memref<1000000x32xf32, #tpu.memory_space<hbm>>
    tpu.enqueue_indirect_dma source(%dma_start3A_112 : memref<1000000x32xf32, #tpu.memory_space<hbm>>) target(%dma_start3A_106 : memref<128x32xf32, #tpu.memory_space<vmem>>) offsets(%dma_start3A_109 : memref<128xi32, #tpu.memory_space<vmem>>) semaphore(%arg10 : memref<!tpu.dma_semaphore, #tpu.memory_space<semaphore_mem>>)
    %dma_start3A_113 = arith.constant 0 : i32
    %dma_start3A_114 = arith.constant 0 : i32
    %dma_start3A_115 = arith.constant 0 : i32
    %dma_start3A_116 = arith.constant 7 : i32
    %dma_start3A_117 = arith.constant 0 : i32
    %dma_start3A_118 = arith.constant 7 : i32
    %dma_start3A_119 = arith.constant 0 : i32
    %dma_start3A_120 = arith.constant 0 : i32
    %dma_start3A_121 = tpu.memref_slice %arg7[%dma_start3A_117, %dma_start3A_118, %dma_start3A_119, %dma_start3A_120] : memref<2x8x128x32xf32, #tpu.memory_space<vmem>> -> memref<1x1x128x32xf32, #tpu.memory_space<vmem>>
    %dma_start3A_122 = tpu.memref_squeeze %dma_start3A_121 : memref<1x1x128x32xf32, #tpu.memory_space<vmem>> -> memref<128x32xf32, #tpu.memory_space<vmem>>
    %dma_start3A_123 = arith.constant 0 : i32
    %dma_start3A_124 = tpu.memref_slice %arg6[%dma_start3A_113, %dma_start3A_114, %dma_start3A_115, %dma_start3A_116, %dma_start3A_123] : memref<2x1x1x8x128xi32, #tpu.memory_space<vmem>> -> memref<1x1x1x1x128xi32, #tpu.memory_space<vmem>>
    %dma_start3A_125 = tpu.memref_squeeze %dma_start3A_124 : memref<1x1x1x1x128xi32, #tpu.memory_space<vmem>> -> memref<128xi32, #tpu.memory_space<vmem>>
    %dma_start3A_126 = arith.constant 0 : i32
    %dma_start3A_127 = arith.constant 0 : i32
    %dma_start3A_128 = tpu.memref_slice %arg3[%dma_start3A_126, %dma_start3A_127] : memref<1000000x32xf32, #tpu.memory_space<hbm>> -> memref<1000000x32xf32, #tpu.memory_space<hbm>>
    tpu.enqueue_indirect_dma source(%dma_start3A_128 : memref<1000000x32xf32, #tpu.memory_space<hbm>>) target(%dma_start3A_122 : memref<128x32xf32, #tpu.memory_space<vmem>>) offsets(%dma_start3A_125 : memref<128xi32, #tpu.memory_space<vmem>>) semaphore(%arg10 : memref<!tpu.dma_semaphore, #tpu.memory_space<semaphore_mem>>)
    %scan3A = arith.constant 0 : i32
    %scan3A_129 = arith.constant 0 : i32
    %scan3A_130 = arith.constant 25 : i32
    %scan3A_131 = arith.addi %scan3A_129, %scan3A_130 : i32
    %scan3A_132 = arith.constant 1 : i32
    %scan3A_133 = scf.for %scan3A_262 = %scan3A_129 to %scan3A_131 step %scan3A_132 iter_args(%scan3A_263 = %scan3A) -> (i32)  : i32 {
      %and3A = arith.constant 1 : i32
      %and3A_264 = arith.andi %scan3A_262, %and3A : i32
      %add3A_265 = arith.constant 1 : i32
      %add3A_266 = arith.addi %scan3A_262, %add3A_265 : i32
      %min3A = arith.constant 24 : i32
      %min3A_267 = arith.minsi %add3A_266, %min3A : i32
      %mul3A_268 = arith.constant 8 : i32
      %mul3A_269 = arith.muli %scan3A_262, %mul3A_268 : i32
      %ne3A = arith.constant 0 : i32
      %ne3A_270 = arith.cmpi ne, %and3A_264, %ne3A : i32
      %convert_element_type3A = arith.extui %ne3A_270 : i1 to i32
      %cond3A = arith.constant 0 : i32
      %cond3A_271 = arith.cmpi ne, %convert_element_type3A, %cond3A : i32
      scf.if %cond3A_271 {
        %sub3A = arith.constant 1 : i32
        %sub3A_294 = arith.subi %sub3A, %and3A_264 : i32
        "tpu.region"() ({
          %run_scoped3A_407 = tpu.sem_alloc : memref<!tpu.dma_semaphore, #tpu.memory_space<semaphore_mem>>
          %dma_start3A_408 = arith.constant 0 : i32
          %dma_start3A_409 = arith.constant 0 : i32
          %dma_start3A_410 = arith.constant 0 : i32
          %dma_start3A_411 = arith.constant 0 : i32
          %dma_start3A_412 = tpu.memref_slice %arg6[%sub3A_294, %dma_start3A_408, %dma_start3A_409, %dma_start3A_410, %dma_start3A_411] : memref<2x1x1x8x128xi32, #tpu.memory_space<vmem>> -> memref<1x1x1x8x128xi32, #tpu.memory_space<vmem>>
          %dma_start3A_413 = tpu.memref_squeeze %dma_start3A_412 : memref<1x1x1x8x128xi32, #tpu.memory_space<vmem>> -> memref<1x1x8x128xi32, #tpu.memory_space<vmem>>
          %dma_start3A_414 = arith.constant 0 : i32
          %dma_start3A_415 = arith.constant 0 : i32
          %dma_start3A_416 = tpu.memref_slice %arg2[%min3A_267, %add3A, %dma_start3A_414, %dma_start3A_415] : memref<25x32x8x128xi32, #tpu.memory_space<hbm>> -> memref<1x1x8x128xi32, #tpu.memory_space<hbm>>
          %dma_start3A_417 = arith.constant 0 : i32
          %dma_start3A_418 = arith.constant 0 : i32
          %dma_start3A_419 = arith.constant 0 : i32
          %dma_start3A_420 = arith.constant 0 : i32
          %dma_start3A_421 = tpu.memref_slice %arg6[%sub3A_294, %dma_start3A_417, %dma_start3A_418, %dma_start3A_419, %dma_start3A_420] : memref<2x1x1x8x128xi32, #tpu.memory_space<vmem>> -> memref<1x1x1x8x128xi32, #tpu.memory_space<vmem>>
          %dma_start3A_422 = tpu.memref_squeeze %dma_start3A_421 : memref<1x1x1x8x128xi32, #tpu.memory_space<vmem>> -> memref<1x1x8x128xi32, #tpu.memory_space<vmem>>
          %dma_start3A_423 = arith.constant 0 : i32
          %dma_start3A_424 = arith.constant 0 : i32
          %dma_start3A_425 = tpu.memref_slice %arg2[%min3A_267, %add3A, %dma_start3A_423, %dma_start3A_424] : memref<25x32x8x128xi32, #tpu.memory_space<hbm>> -> memref<1x1x8x128xi32, #tpu.memory_space<hbm>>
          tpu.enqueue_dma source(%dma_start3A_425 : memref<1x1x8x128xi32, #tpu.memory_space<hbm>>) target(%dma_start3A_422 : memref<1x1x8x128xi32, #tpu.memory_space<vmem>>) target_semaphore(%run_scoped3A_407 : memref<!tpu.dma_semaphore, #tpu.memory_space<semaphore_mem>>)
          %dma_wait3A_426 = arith.constant 0 : i32
          %dma_wait3A_427 = arith.constant 0 : i32
          %dma_wait3A_428 = arith.constant 0 : i32
          %dma_wait3A_429 = arith.constant 0 : i32
          %dma_wait3A_430 = tpu.memref_slice %arg6[%sub3A_294, %dma_wait3A_426, %dma_wait3A_427, %dma_wait3A_428, %dma_wait3A_429] : memref<2x1x1x8x128xi32, #tpu.memory_space<vmem>> -> memref<1x1x1x8x128xi32, #tpu.memory_space<vmem>>
          %dma_wait3A_431 = tpu.memref_squeeze %dma_wait3A_430 : memref<1x1x1x8x128xi32, #tpu.memory_space<vmem>> -> memref<1x1x8x128xi32, #tpu.memory_space<vmem>>
          %dma_wait3A_432 = arith.constant 0 : i32
          %dma_wait3A_433 = arith.constant 0 : i32
          %dma_wait3A_434 = tpu.memref_slice %arg2[%min3A_267, %add3A, %dma_wait3A_432, %dma_wait3A_433] : memref<25x32x8x128xi32, #tpu.memory_space<hbm>> -> memref<1x1x8x128xi32, #tpu.memory_space<hbm>>
          %dma_wait3A_435 = arith.constant 0 : i32
          %dma_wait3A_436 = arith.constant 0 : i32
          %dma_wait3A_437 = arith.constant 0 : i32
          %dma_wait3A_438 = arith.constant 0 : i32
          %dma_wait3A_439 = tpu.memref_slice %arg6[%sub3A_294, %dma_wait3A_435, %dma_wait3A_436, %dma_wait3A_437, %dma_wait3A_438] : memref<2x1x1x8x128xi32, #tpu.memory_space<vmem>> -> memref<1x1x1x8x128xi32, #tpu.memory_space<vmem>>
          %dma_wait3A_440 = tpu.memref_squeeze %dma_wait3A_439 : memref<1x1x1x8x128xi32, #tpu.memory_space<vmem>> -> memref<1x1x8x128xi32, #tpu.memory_space<vmem>>
          %dma_wait3A_441 = arith.constant 0 : i32
          %dma_wait3A_442 = arith.constant 0 : i32
          %dma_wait3A_443 = tpu.memref_slice %arg2[%min3A_267, %add3A, %dma_wait3A_441, %dma_wait3A_442] : memref<25x32x8x128xi32, #tpu.memory_space<hbm>> -> memref<1x1x8x128xi32, #tpu.memory_space<hbm>>
          tpu.wait_dma2 semaphore(%run_scoped3A_407 : memref<!tpu.dma_semaphore, #tpu.memory_space<semaphore_mem>>) src(%dma_wait3A_443 : memref<1x1x8x128xi32, #tpu.memory_space<hbm>>) dst(%dma_wait3A_440 : memref<1x1x8x128xi32, #tpu.memory_space<vmem>>)
          tpu.yield
        }) : () -> ()
        %dma_start3A_295 = arith.constant 0 : i32
        %dma_start3A_296 = arith.constant 0 : i32
        %dma_start3A_297 = arith.constant 0 : i32
        %dma_start3A_298 = arith.constant 0 : i32
        %dma_start3A_299 = arith.constant 0 : i32
        %dma_start3A_300 = arith.constant 0 : i32
        %dma_start3A_301 = tpu.memref_slice %arg7[%sub3A_294, %dma_start3A_298, %dma_start3A_299, %dma_start3A_300] : memref<2x8x128x32xf32, #tpu.memory_space<vmem>> -> memref<1x1x128x32xf32, #tpu.memory_space<vmem>>
        %dma_start3A_302 = tpu.memref_squeeze %dma_start3A_301 : memref<1x1x128x32xf32, #tpu.memory_space<vmem>> -> memref<128x32xf32, #tpu.memory_space<vmem>>
        %dma_start3A_303 = arith.constant 0 : i32
        %dma_start3A_304 = tpu.memref_slice %arg6[%sub3A_294, %dma_start3A_295, %dma_start3A_296, %dma_start3A_297, %dma_start3A_303] : memref<2x1x1x8x128xi32, #tpu.memory_space<vmem>> -> memref<1x1x1x1x128xi32, #tpu.memory_space<vmem>>
        %dma_start3A_305 = tpu.memref_squeeze %dma_start3A_304 : memref<1x1x1x1x128xi32, #tpu.memory_space<vmem>> -> memref<128xi32, #tpu.memory_space<vmem>>
        %dma_start3A_306 = arith.constant 0 : i32
        %dma_start3A_307 = arith.constant 0 : i32
        %dma_start3A_308 = tpu.memref_slice %arg3[%dma_start3A_306, %dma_start3A_307] : memref<1000000x32xf32, #tpu.memory_space<hbm>> -> memref<1000000x32xf32, #tpu.memory_space<hbm>>
        tpu.enqueue_indirect_dma source(%dma_start3A_308 : memref<1000000x32xf32, #tpu.memory_space<hbm>>) target(%dma_start3A_302 : memref<128x32xf32, #tpu.memory_space<vmem>>) offsets(%dma_start3A_305 : memref<128xi32, #tpu.memory_space<vmem>>) semaphore(%arg10 : memref<!tpu.dma_semaphore, #tpu.memory_space<semaphore_mem>>)
        %dma_start3A_309 = arith.constant 0 : i32
        %dma_start3A_310 = arith.constant 0 : i32
        %dma_start3A_311 = arith.constant 1 : i32
        %dma_start3A_312 = arith.constant 1 : i32
        %dma_start3A_313 = arith.constant 0 : i32
        %dma_start3A_314 = arith.constant 0 : i32
        %dma_start3A_315 = tpu.memref_slice %arg7[%sub3A_294, %dma_start3A_312, %dma_start3A_313, %dma_start3A_314] : memref<2x8x128x32xf32, #tpu.memory_space<vmem>> -> memref<1x1x128x32xf32, #tpu.memory_space<vmem>>
        %dma_start3A_316 = tpu.memref_squeeze %dma_start3A_315 : memref<1x1x128x32xf32, #tpu.memory_space<vmem>> -> memref<128x32xf32, #tpu.memory_space<vmem>>
        %dma_start3A_317 = arith.constant 0 : i32
        %dma_start3A_318 = tpu.memref_slice %arg6[%sub3A_294, %dma_start3A_309, %dma_start3A_310, %dma_start3A_311, %dma_start3A_317] : memref<2x1x1x8x128xi32, #tpu.memory_space<vmem>> -> memref<1x1x1x1x128xi32, #tpu.memory_space<vmem>>
        %dma_start3A_319 = tpu.memref_squeeze %dma_start3A_318 : memref<1x1x1x1x128xi32, #tpu.memory_space<vmem>> -> memref<128xi32, #tpu.memory_space<vmem>>
        %dma_start3A_320 = arith.constant 0 : i32
        %dma_start3A_321 = arith.constant 0 : i32
        %dma_start3A_322 = tpu.memref_slice %arg3[%dma_start3A_320, %dma_start3A_321] : memref<1000000x32xf32, #tpu.memory_space<hbm>> -> memref<1000000x32xf32, #tpu.memory_space<hbm>>
        tpu.enqueue_indirect_dma source(%dma_start3A_322 : memref<1000000x32xf32, #tpu.memory_space<hbm>>) target(%dma_start3A_316 : memref<128x32xf32, #tpu.memory_space<vmem>>) offsets(%dma_start3A_319 : memref<128xi32, #tpu.memory_space<vmem>>) semaphore(%arg10 : memref<!tpu.dma_semaphore, #tpu.memory_space<semaphore_mem>>)
        %dma_start3A_323 = arith.constant 0 : i32
        %dma_start3A_324 = arith.constant 0 : i32
        %dma_start3A_325 = arith.constant 2 : i32
        %dma_start3A_326 = arith.constant 2 : i32
        %dma_start3A_327 = arith.constant 0 : i32
        %dma_start3A_328 = arith.constant 0 : i32
        %dma_start3A_329 = tpu.memref_slice %arg7[%sub3A_294, %dma_start3A_326, %dma_start3A_327, %dma_start3A_328] : memref<2x8x128x32xf32, #tpu.memory_space<vmem>> -> memref<1x1x128x32xf32, #tpu.memory_space<vmem>>
        %dma_start3A_330 = tpu.memref_squeeze %dma_start3A_329 : memref<1x1x128x32xf32, #tpu.memory_space<vmem>> -> memref<128x32xf32, #tpu.memory_space<vmem>>
        %dma_start3A_331 = arith.constant 0 : i32
        %dma_start3A_332 = tpu.memref_slice %arg6[%sub3A_294, %dma_start3A_323, %dma_start3A_324, %dma_start3A_325, %dma_start3A_331] : memref<2x1x1x8x128xi32, #tpu.memory_space<vmem>> -> memref<1x1x1x1x128xi32, #tpu.memory_space<vmem>>
        %dma_start3A_333 = tpu.memref_squeeze %dma_start3A_332 : memref<1x1x1x1x128xi32, #tpu.memory_space<vmem>> -> memref<128xi32, #tpu.memory_space<vmem>>
        %dma_start3A_334 = arith.constant 0 : i32
        %dma_start3A_335 = arith.constant 0 : i32
        %dma_start3A_336 = tpu.memref_slice %arg3[%dma_start3A_334, %dma_start3A_335] : memref<1000000x32xf32, #tpu.memory_space<hbm>> -> memref<1000000x32xf32, #tpu.memory_space<hbm>>
        tpu.enqueue_indirect_dma source(%dma_start3A_336 : memref<1000000x32xf32, #tpu.memory_space<hbm>>) target(%dma_start3A_330 : memref<128x32xf32, #tpu.memory_space<vmem>>) offsets(%dma_start3A_333 : memref<128xi32, #tpu.memory_space<vmem>>) semaphore(%arg10 : memref<!tpu.dma_semaphore, #tpu.memory_space<semaphore_mem>>)
        %dma_start3A_337 = arith.constant 0 : i32
        %dma_start3A_338 = arith.constant 0 : i32
        %dma_start3A_339 = arith.constant 3 : i32
        %dma_start3A_340 = arith.constant 3 : i32
        %dma_start3A_341 = arith.constant 0 : i32
        %dma_start3A_342 = arith.constant 0 : i32
        %dma_start3A_343 = tpu.memref_slice %arg7[%sub3A_294, %dma_start3A_340, %dma_start3A_341, %dma_start3A_342] : memref<2x8x128x32xf32, #tpu.memory_space<vmem>> -> memref<1x1x128x32xf32, #tpu.memory_space<vmem>>
        %dma_start3A_344 = tpu.memref_squeeze %dma_start3A_343 : memref<1x1x128x32xf32, #tpu.memory_space<vmem>> -> memref<128x32xf32, #tpu.memory_space<vmem>>
        %dma_start3A_345 = arith.constant 0 : i32
        %dma_start3A_346 = tpu.memref_slice %arg6[%sub3A_294, %dma_start3A_337, %dma_start3A_338, %dma_start3A_339, %dma_start3A_345] : memref<2x1x1x8x128xi32, #tpu.memory_space<vmem>> -> memref<1x1x1x1x128xi32, #tpu.memory_space<vmem>>
        %dma_start3A_347 = tpu.memref_squeeze %dma_start3A_346 : memref<1x1x1x1x128xi32, #tpu.memory_space<vmem>> -> memref<128xi32, #tpu.memory_space<vmem>>
        %dma_start3A_348 = arith.constant 0 : i32
        %dma_start3A_349 = arith.constant 0 : i32
        %dma_start3A_350 = tpu.memref_slice %arg3[%dma_start3A_348, %dma_start3A_349] : memref<1000000x32xf32, #tpu.memory_space<hbm>> -> memref<1000000x32xf32, #tpu.memory_space<hbm>>
        tpu.enqueue_indirect_dma source(%dma_start3A_350 : memref<1000000x32xf32, #tpu.memory_space<hbm>>) target(%dma_start3A_344 : memref<128x32xf32, #tpu.memory_space<vmem>>) offsets(%dma_start3A_347 : memref<128xi32, #tpu.memory_space<vmem>>) semaphore(%arg10 : memref<!tpu.dma_semaphore, #tpu.memory_space<semaphore_mem>>)
        %dma_start3A_351 = arith.constant 0 : i32
        %dma_start3A_352 = arith.constant 0 : i32
        %dma_start3A_353 = arith.constant 4 : i32
        %dma_start3A_354 = arith.constant 4 : i32
        %dma_start3A_355 = arith.constant 0 : i32
        %dma_start3A_356 = arith.constant 0 : i32
        %dma_start3A_357 = tpu.memref_slice %arg7[%sub3A_294, %dma_start3A_354, %dma_start3A_355, %dma_start3A_356] : memref<2x8x128x32xf32, #tpu.memory_space<vmem>> -> memref<1x1x128x32xf32, #tpu.memory_space<vmem>>
        %dma_start3A_358 = tpu.memref_squeeze %dma_start3A_357 : memref<1x1x128x32xf32, #tpu.memory_space<vmem>> -> memref<128x32xf32, #tpu.memory_space<vmem>>
        %dma_start3A_359 = arith.constant 0 : i32
        %dma_start3A_360 = tpu.memref_slice %arg6[%sub3A_294, %dma_start3A_351, %dma_start3A_352, %dma_start3A_353, %dma_start3A_359] : memref<2x1x1x8x128xi32, #tpu.memory_space<vmem>> -> memref<1x1x1x1x128xi32, #tpu.memory_space<vmem>>
        %dma_start3A_361 = tpu.memref_squeeze %dma_start3A_360 : memref<1x1x1x1x128xi32, #tpu.memory_space<vmem>> -> memref<128xi32, #tpu.memory_space<vmem>>
        %dma_start3A_362 = arith.constant 0 : i32
        %dma_start3A_363 = arith.constant 0 : i32
        %dma_start3A_364 = tpu.memref_slice %arg3[%dma_start3A_362, %dma_start3A_363] : memref<1000000x32xf32, #tpu.memory_space<hbm>> -> memref<1000000x32xf32, #tpu.memory_space<hbm>>
        tpu.enqueue_indirect_dma source(%dma_start3A_364 : memref<1000000x32xf32, #tpu.memory_space<hbm>>) target(%dma_start3A_358 : memref<128x32xf32, #tpu.memory_space<vmem>>) offsets(%dma_start3A_361 : memref<128xi32, #tpu.memory_space<vmem>>) semaphore(%arg10 : memref<!tpu.dma_semaphore, #tpu.memory_space<semaphore_mem>>)
        %dma_start3A_365 = arith.constant 0 : i32
        %dma_start3A_366 = arith.constant 0 : i32
        %dma_start3A_367 = arith.constant 5 : i32
        %dma_start3A_368 = arith.constant 5 : i32
        %dma_start3A_369 = arith.constant 0 : i32
        %dma_start3A_370 = arith.constant 0 : i32
        %dma_start3A_371 = tpu.memref_slice %arg7[%sub3A_294, %dma_start3A_368, %dma_start3A_369, %dma_start3A_370] : memref<2x8x128x32xf32, #tpu.memory_space<vmem>> -> memref<1x1x128x32xf32, #tpu.memory_space<vmem>>
        %dma_start3A_372 = tpu.memref_squeeze %dma_start3A_371 : memref<1x1x128x32xf32, #tpu.memory_space<vmem>> -> memref<128x32xf32, #tpu.memory_space<vmem>>
        %dma_start3A_373 = arith.constant 0 : i32
        %dma_start3A_374 = tpu.memref_slice %arg6[%sub3A_294, %dma_start3A_365, %dma_start3A_366, %dma_start3A_367, %dma_start3A_373] : memref<2x1x1x8x128xi32, #tpu.memory_space<vmem>> -> memref<1x1x1x1x128xi32, #tpu.memory_space<vmem>>
        %dma_start3A_375 = tpu.memref_squeeze %dma_start3A_374 : memref<1x1x1x1x128xi32, #tpu.memory_space<vmem>> -> memref<128xi32, #tpu.memory_space<vmem>>
        %dma_start3A_376 = arith.constant 0 : i32
        %dma_start3A_377 = arith.constant 0 : i32
        %dma_start3A_378 = tpu.memref_slice %arg3[%dma_start3A_376, %dma_start3A_377] : memref<1000000x32xf32, #tpu.memory_space<hbm>> -> memref<1000000x32xf32, #tpu.memory_space<hbm>>
        tpu.enqueue_indirect_dma source(%dma_start3A_378 : memref<1000000x32xf32, #tpu.memory_space<hbm>>) target(%dma_start3A_372 : memref<128x32xf32, #tpu.memory_space<vmem>>) offsets(%dma_start3A_375 : memref<128xi32, #tpu.memory_space<vmem>>) semaphore(%arg10 : memref<!tpu.dma_semaphore, #tpu.memory_space<semaphore_mem>>)
        %dma_start3A_379 = arith.constant 0 : i32
        %dma_start3A_380 = arith.constant 0 : i32
        %dma_start3A_381 = arith.constant 6 : i32
        %dma_start3A_382 = arith.constant 6 : i32
        %dma_start3A_383 = arith.constant 0 : i32
        %dma_start3A_384 = arith.constant 0 : i32
        %dma_start3A_385 = tpu.memref_slice %arg7[%sub3A_294, %dma_start3A_382, %dma_start3A_383, %dma_start3A_384] : memref<2x8x128x32xf32, #tpu.memory_space<vmem>> -> memref<1x1x128x32xf32, #tpu.memory_space<vmem>>
        %dma_start3A_386 = tpu.memref_squeeze %dma_start3A_385 : memref<1x1x128x32xf32, #tpu.memory_space<vmem>> -> memref<128x32xf32, #tpu.memory_space<vmem>>
        %dma_start3A_387 = arith.constant 0 : i32
        %dma_start3A_388 = tpu.memref_slice %arg6[%sub3A_294, %dma_start3A_379, %dma_start3A_380, %dma_start3A_381, %dma_start3A_387] : memref<2x1x1x8x128xi32, #tpu.memory_space<vmem>> -> memref<1x1x1x1x128xi32, #tpu.memory_space<vmem>>
        %dma_start3A_389 = tpu.memref_squeeze %dma_start3A_388 : memref<1x1x1x1x128xi32, #tpu.memory_space<vmem>> -> memref<128xi32, #tpu.memory_space<vmem>>
        %dma_start3A_390 = arith.constant 0 : i32
        %dma_start3A_391 = arith.constant 0 : i32
        %dma_start3A_392 = tpu.memref_slice %arg3[%dma_start3A_390, %dma_start3A_391] : memref<1000000x32xf32, #tpu.memory_space<hbm>> -> memref<1000000x32xf32, #tpu.memory_space<hbm>>
        tpu.enqueue_indirect_dma source(%dma_start3A_392 : memref<1000000x32xf32, #tpu.memory_space<hbm>>) target(%dma_start3A_386 : memref<128x32xf32, #tpu.memory_space<vmem>>) offsets(%dma_start3A_389 : memref<128xi32, #tpu.memory_space<vmem>>) semaphore(%arg10 : memref<!tpu.dma_semaphore, #tpu.memory_space<semaphore_mem>>)
        %dma_start3A_393 = arith.constant 0 : i32
        %dma_start3A_394 = arith.constant 0 : i32
        %dma_start3A_395 = arith.constant 7 : i32
        %dma_start3A_396 = arith.constant 7 : i32
        %dma_start3A_397 = arith.constant 0 : i32
        %dma_start3A_398 = arith.constant 0 : i32
        %dma_start3A_399 = tpu.memref_slice %arg7[%sub3A_294, %dma_start3A_396, %dma_start3A_397, %dma_start3A_398] : memref<2x8x128x32xf32, #tpu.memory_space<vmem>> -> memref<1x1x128x32xf32, #tpu.memory_space<vmem>>
        %dma_start3A_400 = tpu.memref_squeeze %dma_start3A_399 : memref<1x1x128x32xf32, #tpu.memory_space<vmem>> -> memref<128x32xf32, #tpu.memory_space<vmem>>
        %dma_start3A_401 = arith.constant 0 : i32
        %dma_start3A_402 = tpu.memref_slice %arg6[%sub3A_294, %dma_start3A_393, %dma_start3A_394, %dma_start3A_395, %dma_start3A_401] : memref<2x1x1x8x128xi32, #tpu.memory_space<vmem>> -> memref<1x1x1x1x128xi32, #tpu.memory_space<vmem>>
        %dma_start3A_403 = tpu.memref_squeeze %dma_start3A_402 : memref<1x1x1x1x128xi32, #tpu.memory_space<vmem>> -> memref<128xi32, #tpu.memory_space<vmem>>
        %dma_start3A_404 = arith.constant 0 : i32
        %dma_start3A_405 = arith.constant 0 : i32
        %dma_start3A_406 = tpu.memref_slice %arg3[%dma_start3A_404, %dma_start3A_405] : memref<1000000x32xf32, #tpu.memory_space<hbm>> -> memref<1000000x32xf32, #tpu.memory_space<hbm>>
        tpu.enqueue_indirect_dma source(%dma_start3A_406 : memref<1000000x32xf32, #tpu.memory_space<hbm>>) target(%dma_start3A_400 : memref<128x32xf32, #tpu.memory_space<vmem>>) offsets(%dma_start3A_403 : memref<128xi32, #tpu.memory_space<vmem>>) semaphore(%arg10 : memref<!tpu.dma_semaphore, #tpu.memory_space<semaphore_mem>>)
      } else {
      }
      %ne3A_272 = arith.constant 1 : i32
      %ne3A_273 = arith.cmpi ne, %and3A_264, %ne3A_272 : i32
      %convert_element_type3A_274 = arith.extui %ne3A_273 : i1 to i32
      %cond3A_275 = arith.constant 0 : i32
      %cond3A_276 = arith.cmpi ne, %convert_element_type3A_274, %cond3A_275 : i32
      scf.if %cond3A_276 {
        %sub3A = arith.constant 1 : i32
        %sub3A_294 = arith.subi %sub3A, %and3A_264 : i32
        "tpu.region"() ({
          %run_scoped3A_407 = tpu.sem_alloc : memref<!tpu.dma_semaphore, #tpu.memory_space<semaphore_mem>>
          %dma_start3A_408 = arith.constant 0 : i32
          %dma_start3A_409 = arith.constant 0 : i32
          %dma_start3A_410 = arith.constant 0 : i32
          %dma_start3A_411 = arith.constant 0 : i32
          %dma_start3A_412 = tpu.memref_slice %arg6[%sub3A_294, %dma_start3A_408, %dma_start3A_409, %dma_start3A_410, %dma_start3A_411] : memref<2x1x1x8x128xi32, #tpu.memory_space<vmem>> -> memref<1x1x1x8x128xi32, #tpu.memory_space<vmem>>
          %dma_start3A_413 = tpu.memref_squeeze %dma_start3A_412 : memref<1x1x1x8x128xi32, #tpu.memory_space<vmem>> -> memref<1x1x8x128xi32, #tpu.memory_space<vmem>>
          %dma_start3A_414 = arith.constant 0 : i32
          %dma_start3A_415 = arith.constant 0 : i32
          %dma_start3A_416 = tpu.memref_slice %arg2[%min3A_267, %add3A, %dma_start3A_414, %dma_start3A_415] : memref<25x32x8x128xi32, #tpu.memory_space<hbm>> -> memref<1x1x8x128xi32, #tpu.memory_space<hbm>>
          %dma_start3A_417 = arith.constant 0 : i32
          %dma_start3A_418 = arith.constant 0 : i32
          %dma_start3A_419 = arith.constant 0 : i32
          %dma_start3A_420 = arith.constant 0 : i32
          %dma_start3A_421 = tpu.memref_slice %arg6[%sub3A_294, %dma_start3A_417, %dma_start3A_418, %dma_start3A_419, %dma_start3A_420] : memref<2x1x1x8x128xi32, #tpu.memory_space<vmem>> -> memref<1x1x1x8x128xi32, #tpu.memory_space<vmem>>
          %dma_start3A_422 = tpu.memref_squeeze %dma_start3A_421 : memref<1x1x1x8x128xi32, #tpu.memory_space<vmem>> -> memref<1x1x8x128xi32, #tpu.memory_space<vmem>>
          %dma_start3A_423 = arith.constant 0 : i32
          %dma_start3A_424 = arith.constant 0 : i32
          %dma_start3A_425 = tpu.memref_slice %arg2[%min3A_267, %add3A, %dma_start3A_423, %dma_start3A_424] : memref<25x32x8x128xi32, #tpu.memory_space<hbm>> -> memref<1x1x8x128xi32, #tpu.memory_space<hbm>>
          tpu.enqueue_dma source(%dma_start3A_425 : memref<1x1x8x128xi32, #tpu.memory_space<hbm>>) target(%dma_start3A_422 : memref<1x1x8x128xi32, #tpu.memory_space<vmem>>) target_semaphore(%run_scoped3A_407 : memref<!tpu.dma_semaphore, #tpu.memory_space<semaphore_mem>>)
          %dma_wait3A_426 = arith.constant 0 : i32
          %dma_wait3A_427 = arith.constant 0 : i32
          %dma_wait3A_428 = arith.constant 0 : i32
          %dma_wait3A_429 = arith.constant 0 : i32
          %dma_wait3A_430 = tpu.memref_slice %arg6[%sub3A_294, %dma_wait3A_426, %dma_wait3A_427, %dma_wait3A_428, %dma_wait3A_429] : memref<2x1x1x8x128xi32, #tpu.memory_space<vmem>> -> memref<1x1x1x8x128xi32, #tpu.memory_space<vmem>>
          %dma_wait3A_431 = tpu.memref_squeeze %dma_wait3A_430 : memref<1x1x1x8x128xi32, #tpu.memory_space<vmem>> -> memref<1x1x8x128xi32, #tpu.memory_space<vmem>>
          %dma_wait3A_432 = arith.constant 0 : i32
          %dma_wait3A_433 = arith.constant 0 : i32
          %dma_wait3A_434 = tpu.memref_slice %arg2[%min3A_267, %add3A, %dma_wait3A_432, %dma_wait3A_433] : memref<25x32x8x128xi32, #tpu.memory_space<hbm>> -> memref<1x1x8x128xi32, #tpu.memory_space<hbm>>
          %dma_wait3A_435 = arith.constant 0 : i32
          %dma_wait3A_436 = arith.constant 0 : i32
          %dma_wait3A_437 = arith.constant 0 : i32
          %dma_wait3A_438 = arith.constant 0 : i32
          %dma_wait3A_439 = tpu.memref_slice %arg6[%sub3A_294, %dma_wait3A_435, %dma_wait3A_436, %dma_wait3A_437, %dma_wait3A_438] : memref<2x1x1x8x128xi32, #tpu.memory_space<vmem>> -> memref<1x1x1x8x128xi32, #tpu.memory_space<vmem>>
          %dma_wait3A_440 = tpu.memref_squeeze %dma_wait3A_439 : memref<1x1x1x8x128xi32, #tpu.memory_space<vmem>> -> memref<1x1x8x128xi32, #tpu.memory_space<vmem>>
          %dma_wait3A_441 = arith.constant 0 : i32
          %dma_wait3A_442 = arith.constant 0 : i32
          %dma_wait3A_443 = tpu.memref_slice %arg2[%min3A_267, %add3A, %dma_wait3A_441, %dma_wait3A_442] : memref<25x32x8x128xi32, #tpu.memory_space<hbm>> -> memref<1x1x8x128xi32, #tpu.memory_space<hbm>>
          tpu.wait_dma2 semaphore(%run_scoped3A_407 : memref<!tpu.dma_semaphore, #tpu.memory_space<semaphore_mem>>) src(%dma_wait3A_443 : memref<1x1x8x128xi32, #tpu.memory_space<hbm>>) dst(%dma_wait3A_440 : memref<1x1x8x128xi32, #tpu.memory_space<vmem>>)
          tpu.yield
        }) : () -> ()
        %dma_start3A_295 = arith.constant 0 : i32
        %dma_start3A_296 = arith.constant 0 : i32
        %dma_start3A_297 = arith.constant 0 : i32
        %dma_start3A_298 = arith.constant 0 : i32
        %dma_start3A_299 = arith.constant 0 : i32
        %dma_start3A_300 = arith.constant 0 : i32
        %dma_start3A_301 = tpu.memref_slice %arg7[%sub3A_294, %dma_start3A_298, %dma_start3A_299, %dma_start3A_300] : memref<2x8x128x32xf32, #tpu.memory_space<vmem>> -> memref<1x1x128x32xf32, #tpu.memory_space<vmem>>
        %dma_start3A_302 = tpu.memref_squeeze %dma_start3A_301 : memref<1x1x128x32xf32, #tpu.memory_space<vmem>> -> memref<128x32xf32, #tpu.memory_space<vmem>>
        %dma_start3A_303 = arith.constant 0 : i32
        %dma_start3A_304 = tpu.memref_slice %arg6[%sub3A_294, %dma_start3A_295, %dma_start3A_296, %dma_start3A_297, %dma_start3A_303] : memref<2x1x1x8x128xi32, #tpu.memory_space<vmem>> -> memref<1x1x1x1x128xi32, #tpu.memory_space<vmem>>
        %dma_start3A_305 = tpu.memref_squeeze %dma_start3A_304 : memref<1x1x1x1x128xi32, #tpu.memory_space<vmem>> -> memref<128xi32, #tpu.memory_space<vmem>>
        %dma_start3A_306 = arith.constant 0 : i32
        %dma_start3A_307 = arith.constant 0 : i32
        %dma_start3A_308 = tpu.memref_slice %arg3[%dma_start3A_306, %dma_start3A_307] : memref<1000000x32xf32, #tpu.memory_space<hbm>> -> memref<1000000x32xf32, #tpu.memory_space<hbm>>
        tpu.enqueue_indirect_dma source(%dma_start3A_308 : memref<1000000x32xf32, #tpu.memory_space<hbm>>) target(%dma_start3A_302 : memref<128x32xf32, #tpu.memory_space<vmem>>) offsets(%dma_start3A_305 : memref<128xi32, #tpu.memory_space<vmem>>) semaphore(%arg11 : memref<!tpu.dma_semaphore, #tpu.memory_space<semaphore_mem>>)
        %dma_start3A_309 = arith.constant 0 : i32
        %dma_start3A_310 = arith.constant 0 : i32
        %dma_start3A_311 = arith.constant 1 : i32
        %dma_start3A_312 = arith.constant 1 : i32
        %dma_start3A_313 = arith.constant 0 : i32
        %dma_start3A_314 = arith.constant 0 : i32
        %dma_start3A_315 = tpu.memref_slice %arg7[%sub3A_294, %dma_start3A_312, %dma_start3A_313, %dma_start3A_314] : memref<2x8x128x32xf32, #tpu.memory_space<vmem>> -> memref<1x1x128x32xf32, #tpu.memory_space<vmem>>
        %dma_start3A_316 = tpu.memref_squeeze %dma_start3A_315 : memref<1x1x128x32xf32, #tpu.memory_space<vmem>> -> memref<128x32xf32, #tpu.memory_space<vmem>>
        %dma_start3A_317 = arith.constant 0 : i32
        %dma_start3A_318 = tpu.memref_slice %arg6[%sub3A_294, %dma_start3A_309, %dma_start3A_310, %dma_start3A_311, %dma_start3A_317] : memref<2x1x1x8x128xi32, #tpu.memory_space<vmem>> -> memref<1x1x1x1x128xi32, #tpu.memory_space<vmem>>
        %dma_start3A_319 = tpu.memref_squeeze %dma_start3A_318 : memref<1x1x1x1x128xi32, #tpu.memory_space<vmem>> -> memref<128xi32, #tpu.memory_space<vmem>>
        %dma_start3A_320 = arith.constant 0 : i32
        %dma_start3A_321 = arith.constant 0 : i32
        %dma_start3A_322 = tpu.memref_slice %arg3[%dma_start3A_320, %dma_start3A_321] : memref<1000000x32xf32, #tpu.memory_space<hbm>> -> memref<1000000x32xf32, #tpu.memory_space<hbm>>
        tpu.enqueue_indirect_dma source(%dma_start3A_322 : memref<1000000x32xf32, #tpu.memory_space<hbm>>) target(%dma_start3A_316 : memref<128x32xf32, #tpu.memory_space<vmem>>) offsets(%dma_start3A_319 : memref<128xi32, #tpu.memory_space<vmem>>) semaphore(%arg11 : memref<!tpu.dma_semaphore, #tpu.memory_space<semaphore_mem>>)
        %dma_start3A_323 = arith.constant 0 : i32
        %dma_start3A_324 = arith.constant 0 : i32
        %dma_start3A_325 = arith.constant 2 : i32
        %dma_start3A_326 = arith.constant 2 : i32
        %dma_start3A_327 = arith.constant 0 : i32
        %dma_start3A_328 = arith.constant 0 : i32
        %dma_start3A_329 = tpu.memref_slice %arg7[%sub3A_294, %dma_start3A_326, %dma_start3A_327, %dma_start3A_328] : memref<2x8x128x32xf32, #tpu.memory_space<vmem>> -> memref<1x1x128x32xf32, #tpu.memory_space<vmem>>
        %dma_start3A_330 = tpu.memref_squeeze %dma_start3A_329 : memref<1x1x128x32xf32, #tpu.memory_space<vmem>> -> memref<128x32xf32, #tpu.memory_space<vmem>>
        %dma_start3A_331 = arith.constant 0 : i32
        %dma_start3A_332 = tpu.memref_slice %arg6[%sub3A_294, %dma_start3A_323, %dma_start3A_324, %dma_start3A_325, %dma_start3A_331] : memref<2x1x1x8x128xi32, #tpu.memory_space<vmem>> -> memref<1x1x1x1x128xi32, #tpu.memory_space<vmem>>
        %dma_start3A_333 = tpu.memref_squeeze %dma_start3A_332 : memref<1x1x1x1x128xi32, #tpu.memory_space<vmem>> -> memref<128xi32, #tpu.memory_space<vmem>>
        %dma_start3A_334 = arith.constant 0 : i32
        %dma_start3A_335 = arith.constant 0 : i32
        %dma_start3A_336 = tpu.memref_slice %arg3[%dma_start3A_334, %dma_start3A_335] : memref<1000000x32xf32, #tpu.memory_space<hbm>> -> memref<1000000x32xf32, #tpu.memory_space<hbm>>
        tpu.enqueue_indirect_dma source(%dma_start3A_336 : memref<1000000x32xf32, #tpu.memory_space<hbm>>) target(%dma_start3A_330 : memref<128x32xf32, #tpu.memory_space<vmem>>) offsets(%dma_start3A_333 : memref<128xi32, #tpu.memory_space<vmem>>) semaphore(%arg11 : memref<!tpu.dma_semaphore, #tpu.memory_space<semaphore_mem>>)
        %dma_start3A_337 = arith.constant 0 : i32
        %dma_start3A_338 = arith.constant 0 : i32
        %dma_start3A_339 = arith.constant 3 : i32
        %dma_start3A_340 = arith.constant 3 : i32
        %dma_start3A_341 = arith.constant 0 : i32
        %dma_start3A_342 = arith.constant 0 : i32
        %dma_start3A_343 = tpu.memref_slice %arg7[%sub3A_294, %dma_start3A_340, %dma_start3A_341, %dma_start3A_342] : memref<2x8x128x32xf32, #tpu.memory_space<vmem>> -> memref<1x1x128x32xf32, #tpu.memory_space<vmem>>
        %dma_start3A_344 = tpu.memref_squeeze %dma_start3A_343 : memref<1x1x128x32xf32, #tpu.memory_space<vmem>> -> memref<128x32xf32, #tpu.memory_space<vmem>>
        %dma_start3A_345 = arith.constant 0 : i32
        %dma_start3A_346 = tpu.memref_slice %arg6[%sub3A_294, %dma_start3A_337, %dma_start3A_338, %dma_start3A_339, %dma_start3A_345] : memref<2x1x1x8x128xi32, #tpu.memory_space<vmem>> -> memref<1x1x1x1x128xi32, #tpu.memory_space<vmem>>
        %dma_start3A_347 = tpu.memref_squeeze %dma_start3A_346 : memref<1x1x1x1x128xi32, #tpu.memory_space<vmem>> -> memref<128xi32, #tpu.memory_space<vmem>>
        %dma_start3A_348 = arith.constant 0 : i32
        %dma_start3A_349 = arith.constant 0 : i32
        %dma_start3A_350 = tpu.memref_slice %arg3[%dma_start3A_348, %dma_start3A_349] : memref<1000000x32xf32, #tpu.memory_space<hbm>> -> memref<1000000x32xf32, #tpu.memory_space<hbm>>
        tpu.enqueue_indirect_dma source(%dma_start3A_350 : memref<1000000x32xf32, #tpu.memory_space<hbm>>) target(%dma_start3A_344 : memref<128x32xf32, #tpu.memory_space<vmem>>) offsets(%dma_start3A_347 : memref<128xi32, #tpu.memory_space<vmem>>) semaphore(%arg11 : memref<!tpu.dma_semaphore, #tpu.memory_space<semaphore_mem>>)
        %dma_start3A_351 = arith.constant 0 : i32
        %dma_start3A_352 = arith.constant 0 : i32
        %dma_start3A_353 = arith.constant 4 : i32
        %dma_start3A_354 = arith.constant 4 : i32
        %dma_start3A_355 = arith.constant 0 : i32
        %dma_start3A_356 = arith.constant 0 : i32
        %dma_start3A_357 = tpu.memref_slice %arg7[%sub3A_294, %dma_start3A_354, %dma_start3A_355, %dma_start3A_356] : memref<2x8x128x32xf32, #tpu.memory_space<vmem>> -> memref<1x1x128x32xf32, #tpu.memory_space<vmem>>
        %dma_start3A_358 = tpu.memref_squeeze %dma_start3A_357 : memref<1x1x128x32xf32, #tpu.memory_space<vmem>> -> memref<128x32xf32, #tpu.memory_space<vmem>>
        %dma_start3A_359 = arith.constant 0 : i32
        %dma_start3A_360 = tpu.memref_slice %arg6[%sub3A_294, %dma_start3A_351, %dma_start3A_352, %dma_start3A_353, %dma_start3A_359] : memref<2x1x1x8x128xi32, #tpu.memory_space<vmem>> -> memref<1x1x1x1x128xi32, #tpu.memory_space<vmem>>
        %dma_start3A_361 = tpu.memref_squeeze %dma_start3A_360 : memref<1x1x1x1x128xi32, #tpu.memory_space<vmem>> -> memref<128xi32, #tpu.memory_space<vmem>>
        %dma_start3A_362 = arith.constant 0 : i32
        %dma_start3A_363 = arith.constant 0 : i32
        %dma_start3A_364 = tpu.memref_slice %arg3[%dma_start3A_362, %dma_start3A_363] : memref<1000000x32xf32, #tpu.memory_space<hbm>> -> memref<1000000x32xf32, #tpu.memory_space<hbm>>
        tpu.enqueue_indirect_dma source(%dma_start3A_364 : memref<1000000x32xf32, #tpu.memory_space<hbm>>) target(%dma_start3A_358 : memref<128x32xf32, #tpu.memory_space<vmem>>) offsets(%dma_start3A_361 : memref<128xi32, #tpu.memory_space<vmem>>) semaphore(%arg11 : memref<!tpu.dma_semaphore, #tpu.memory_space<semaphore_mem>>)
        %dma_start3A_365 = arith.constant 0 : i32
        %dma_start3A_366 = arith.constant 0 : i32
        %dma_start3A_367 = arith.constant 5 : i32
        %dma_start3A_368 = arith.constant 5 : i32
        %dma_start3A_369 = arith.constant 0 : i32
        %dma_start3A_370 = arith.constant 0 : i32
        %dma_start3A_371 = tpu.memref_slice %arg7[%sub3A_294, %dma_start3A_368, %dma_start3A_369, %dma_start3A_370] : memref<2x8x128x32xf32, #tpu.memory_space<vmem>> -> memref<1x1x128x32xf32, #tpu.memory_space<vmem>>
        %dma_start3A_372 = tpu.memref_squeeze %dma_start3A_371 : memref<1x1x128x32xf32, #tpu.memory_space<vmem>> -> memref<128x32xf32, #tpu.memory_space<vmem>>
        %dma_start3A_373 = arith.constant 0 : i32
        %dma_start3A_374 = tpu.memref_slice %arg6[%sub3A_294, %dma_start3A_365, %dma_start3A_366, %dma_start3A_367, %dma_start3A_373] : memref<2x1x1x8x128xi32, #tpu.memory_space<vmem>> -> memref<1x1x1x1x128xi32, #tpu.memory_space<vmem>>
        %dma_start3A_375 = tpu.memref_squeeze %dma_start3A_374 : memref<1x1x1x1x128xi32, #tpu.memory_space<vmem>> -> memref<128xi32, #tpu.memory_space<vmem>>
        %dma_start3A_376 = arith.constant 0 : i32
        %dma_start3A_377 = arith.constant 0 : i32
        %dma_start3A_378 = tpu.memref_slice %arg3[%dma_start3A_376, %dma_start3A_377] : memref<1000000x32xf32, #tpu.memory_space<hbm>> -> memref<1000000x32xf32, #tpu.memory_space<hbm>>
        tpu.enqueue_indirect_dma source(%dma_start3A_378 : memref<1000000x32xf32, #tpu.memory_space<hbm>>) target(%dma_start3A_372 : memref<128x32xf32, #tpu.memory_space<vmem>>) offsets(%dma_start3A_375 : memref<128xi32, #tpu.memory_space<vmem>>) semaphore(%arg11 : memref<!tpu.dma_semaphore, #tpu.memory_space<semaphore_mem>>)
        %dma_start3A_379 = arith.constant 0 : i32
        %dma_start3A_380 = arith.constant 0 : i32
        %dma_start3A_381 = arith.constant 6 : i32
        %dma_start3A_382 = arith.constant 6 : i32
        %dma_start3A_383 = arith.constant 0 : i32
        %dma_start3A_384 = arith.constant 0 : i32
        %dma_start3A_385 = tpu.memref_slice %arg7[%sub3A_294, %dma_start3A_382, %dma_start3A_383, %dma_start3A_384] : memref<2x8x128x32xf32, #tpu.memory_space<vmem>> -> memref<1x1x128x32xf32, #tpu.memory_space<vmem>>
        %dma_start3A_386 = tpu.memref_squeeze %dma_start3A_385 : memref<1x1x128x32xf32, #tpu.memory_space<vmem>> -> memref<128x32xf32, #tpu.memory_space<vmem>>
        %dma_start3A_387 = arith.constant 0 : i32
        %dma_start3A_388 = tpu.memref_slice %arg6[%sub3A_294, %dma_start3A_379, %dma_start3A_380, %dma_start3A_381, %dma_start3A_387] : memref<2x1x1x8x128xi32, #tpu.memory_space<vmem>> -> memref<1x1x1x1x128xi32, #tpu.memory_space<vmem>>
        %dma_start3A_389 = tpu.memref_squeeze %dma_start3A_388 : memref<1x1x1x1x128xi32, #tpu.memory_space<vmem>> -> memref<128xi32, #tpu.memory_space<vmem>>
        %dma_start3A_390 = arith.constant 0 : i32
        %dma_start3A_391 = arith.constant 0 : i32
        %dma_start3A_392 = tpu.memref_slice %arg3[%dma_start3A_390, %dma_start3A_391] : memref<1000000x32xf32, #tpu.memory_space<hbm>> -> memref<1000000x32xf32, #tpu.memory_space<hbm>>
        tpu.enqueue_indirect_dma source(%dma_start3A_392 : memref<1000000x32xf32, #tpu.memory_space<hbm>>) target(%dma_start3A_386 : memref<128x32xf32, #tpu.memory_space<vmem>>) offsets(%dma_start3A_389 : memref<128xi32, #tpu.memory_space<vmem>>) semaphore(%arg11 : memref<!tpu.dma_semaphore, #tpu.memory_space<semaphore_mem>>)
        %dma_start3A_393 = arith.constant 0 : i32
        %dma_start3A_394 = arith.constant 0 : i32
        %dma_start3A_395 = arith.constant 7 : i32
        %dma_start3A_396 = arith.constant 7 : i32
        %dma_start3A_397 = arith.constant 0 : i32
        %dma_start3A_398 = arith.constant 0 : i32
        %dma_start3A_399 = tpu.memref_slice %arg7[%sub3A_294, %dma_start3A_396, %dma_start3A_397, %dma_start3A_398] : memref<2x8x128x32xf32, #tpu.memory_space<vmem>> -> memref<1x1x128x32xf32, #tpu.memory_space<vmem>>
        %dma_start3A_400 = tpu.memref_squeeze %dma_start3A_399 : memref<1x1x128x32xf32, #tpu.memory_space<vmem>> -> memref<128x32xf32, #tpu.memory_space<vmem>>
        %dma_start3A_401 = arith.constant 0 : i32
        %dma_start3A_402 = tpu.memref_slice %arg6[%sub3A_294, %dma_start3A_393, %dma_start3A_394, %dma_start3A_395, %dma_start3A_401] : memref<2x1x1x8x128xi32, #tpu.memory_space<vmem>> -> memref<1x1x1x1x128xi32, #tpu.memory_space<vmem>>
        %dma_start3A_403 = tpu.memref_squeeze %dma_start3A_402 : memref<1x1x1x1x128xi32, #tpu.memory_space<vmem>> -> memref<128xi32, #tpu.memory_space<vmem>>
        %dma_start3A_404 = arith.constant 0 : i32
        %dma_start3A_405 = arith.constant 0 : i32
        %dma_start3A_406 = tpu.memref_slice %arg3[%dma_start3A_404, %dma_start3A_405] : memref<1000000x32xf32, #tpu.memory_space<hbm>> -> memref<1000000x32xf32, #tpu.memory_space<hbm>>
        tpu.enqueue_indirect_dma source(%dma_start3A_406 : memref<1000000x32xf32, #tpu.memory_space<hbm>>) target(%dma_start3A_400 : memref<128x32xf32, #tpu.memory_space<vmem>>) offsets(%dma_start3A_403 : memref<128xi32, #tpu.memory_space<vmem>>) semaphore(%arg11 : memref<!tpu.dma_semaphore, #tpu.memory_space<semaphore_mem>>)
      } else {
      }
      %eq3A = arith.constant 0 : i32
      %eq3A_277 = arith.cmpi eq, %and3A_264, %eq3A : i32
      %convert_element_type3A_278 = arith.extui %eq3A_277 : i1 to i32
      %cond3A_279 = arith.constant 0 : i32
      %cond3A_280 = arith.cmpi ne, %convert_element_type3A_278, %cond3A_279 : i32
      scf.if %cond3A_280 {
        %dma_wait3A_294 = arith.constant 0 : i32
        %dma_wait3A_295 = arith.constant 0 : i32
        %dma_wait3A_296 = arith.constant 0 : i32
        %dma_wait3A_297 = arith.constant 0 : i32
        %dma_wait3A_298 = arith.constant 0 : i32
        %dma_wait3A_299 = arith.constant 0 : i32
        %dma_wait3A_300 = tpu.memref_slice %arg7[%and3A_264, %dma_wait3A_297, %dma_wait3A_298, %dma_wait3A_299] : memref<2x8x128x32xf32, #tpu.memory_space<vmem>> -> memref<1x1x128x32xf32, #tpu.memory_space<vmem>>
        %dma_wait3A_301 = tpu.memref_squeeze %dma_wait3A_300 : memref<1x1x128x32xf32, #tpu.memory_space<vmem>> -> memref<128x32xf32, #tpu.memory_space<vmem>>
        %dma_wait3A_302 = arith.constant 0 : i32
        %dma_wait3A_303 = tpu.memref_slice %arg6[%and3A_264, %dma_wait3A_294, %dma_wait3A_295, %dma_wait3A_296, %dma_wait3A_302] : memref<2x1x1x8x128xi32, #tpu.memory_space<vmem>> -> memref<1x1x1x1x128xi32, #tpu.memory_space<vmem>>
        %dma_wait3A_304 = tpu.memref_squeeze %dma_wait3A_303 : memref<1x1x1x1x128xi32, #tpu.memory_space<vmem>> -> memref<128xi32, #tpu.memory_space<vmem>>
        %dma_wait3A_305 = arith.constant 0 : i32
        %dma_wait3A_306 = arith.constant 0 : i32
        %dma_wait3A_307 = tpu.memref_slice %arg3[%dma_wait3A_305, %dma_wait3A_306] : memref<1000000x32xf32, #tpu.memory_space<hbm>> -> memref<1000000x32xf32, #tpu.memory_space<hbm>>
        tpu.wait_indirect_dma semaphore(%arg10 : memref<!tpu.dma_semaphore, #tpu.memory_space<semaphore_mem>>) src(%dma_wait3A_307 : memref<1000000x32xf32, #tpu.memory_space<hbm>>) dst(%dma_wait3A_301 : memref<128x32xf32, #tpu.memory_space<vmem>>)
        %dma_wait3A_308 = arith.constant 0 : i32
        %dma_wait3A_309 = arith.constant 0 : i32
        %dma_wait3A_310 = arith.constant 1 : i32
        %dma_wait3A_311 = arith.constant 1 : i32
        %dma_wait3A_312 = arith.constant 0 : i32
        %dma_wait3A_313 = arith.constant 0 : i32
        %dma_wait3A_314 = tpu.memref_slice %arg7[%and3A_264, %dma_wait3A_311, %dma_wait3A_312, %dma_wait3A_313] : memref<2x8x128x32xf32, #tpu.memory_space<vmem>> -> memref<1x1x128x32xf32, #tpu.memory_space<vmem>>
        %dma_wait3A_315 = tpu.memref_squeeze %dma_wait3A_314 : memref<1x1x128x32xf32, #tpu.memory_space<vmem>> -> memref<128x32xf32, #tpu.memory_space<vmem>>
        %dma_wait3A_316 = arith.constant 0 : i32
        %dma_wait3A_317 = tpu.memref_slice %arg6[%and3A_264, %dma_wait3A_308, %dma_wait3A_309, %dma_wait3A_310, %dma_wait3A_316] : memref<2x1x1x8x128xi32, #tpu.memory_space<vmem>> -> memref<1x1x1x1x128xi32, #tpu.memory_space<vmem>>
        %dma_wait3A_318 = tpu.memref_squeeze %dma_wait3A_317 : memref<1x1x1x1x128xi32, #tpu.memory_space<vmem>> -> memref<128xi32, #tpu.memory_space<vmem>>
        %dma_wait3A_319 = arith.constant 0 : i32
        %dma_wait3A_320 = arith.constant 0 : i32
        %dma_wait3A_321 = tpu.memref_slice %arg3[%dma_wait3A_319, %dma_wait3A_320] : memref<1000000x32xf32, #tpu.memory_space<hbm>> -> memref<1000000x32xf32, #tpu.memory_space<hbm>>
        tpu.wait_indirect_dma semaphore(%arg10 : memref<!tpu.dma_semaphore, #tpu.memory_space<semaphore_mem>>) src(%dma_wait3A_321 : memref<1000000x32xf32, #tpu.memory_space<hbm>>) dst(%dma_wait3A_315 : memref<128x32xf32, #tpu.memory_space<vmem>>)
        %dma_wait3A_322 = arith.constant 0 : i32
        %dma_wait3A_323 = arith.constant 0 : i32
        %dma_wait3A_324 = arith.constant 2 : i32
        %dma_wait3A_325 = arith.constant 2 : i32
        %dma_wait3A_326 = arith.constant 0 : i32
        %dma_wait3A_327 = arith.constant 0 : i32
        %dma_wait3A_328 = tpu.memref_slice %arg7[%and3A_264, %dma_wait3A_325, %dma_wait3A_326, %dma_wait3A_327] : memref<2x8x128x32xf32, #tpu.memory_space<vmem>> -> memref<1x1x128x32xf32, #tpu.memory_space<vmem>>
        %dma_wait3A_329 = tpu.memref_squeeze %dma_wait3A_328 : memref<1x1x128x32xf32, #tpu.memory_space<vmem>> -> memref<128x32xf32, #tpu.memory_space<vmem>>
        %dma_wait3A_330 = arith.constant 0 : i32
        %dma_wait3A_331 = tpu.memref_slice %arg6[%and3A_264, %dma_wait3A_322, %dma_wait3A_323, %dma_wait3A_324, %dma_wait3A_330] : memref<2x1x1x8x128xi32, #tpu.memory_space<vmem>> -> memref<1x1x1x1x128xi32, #tpu.memory_space<vmem>>
        %dma_wait3A_332 = tpu.memref_squeeze %dma_wait3A_331 : memref<1x1x1x1x128xi32, #tpu.memory_space<vmem>> -> memref<128xi32, #tpu.memory_space<vmem>>
        %dma_wait3A_333 = arith.constant 0 : i32
        %dma_wait3A_334 = arith.constant 0 : i32
        %dma_wait3A_335 = tpu.memref_slice %arg3[%dma_wait3A_333, %dma_wait3A_334] : memref<1000000x32xf32, #tpu.memory_space<hbm>> -> memref<1000000x32xf32, #tpu.memory_space<hbm>>
        tpu.wait_indirect_dma semaphore(%arg10 : memref<!tpu.dma_semaphore, #tpu.memory_space<semaphore_mem>>) src(%dma_wait3A_335 : memref<1000000x32xf32, #tpu.memory_space<hbm>>) dst(%dma_wait3A_329 : memref<128x32xf32, #tpu.memory_space<vmem>>)
        %dma_wait3A_336 = arith.constant 0 : i32
        %dma_wait3A_337 = arith.constant 0 : i32
        %dma_wait3A_338 = arith.constant 3 : i32
        %dma_wait3A_339 = arith.constant 3 : i32
        %dma_wait3A_340 = arith.constant 0 : i32
        %dma_wait3A_341 = arith.constant 0 : i32
        %dma_wait3A_342 = tpu.memref_slice %arg7[%and3A_264, %dma_wait3A_339, %dma_wait3A_340, %dma_wait3A_341] : memref<2x8x128x32xf32, #tpu.memory_space<vmem>> -> memref<1x1x128x32xf32, #tpu.memory_space<vmem>>
        %dma_wait3A_343 = tpu.memref_squeeze %dma_wait3A_342 : memref<1x1x128x32xf32, #tpu.memory_space<vmem>> -> memref<128x32xf32, #tpu.memory_space<vmem>>
        %dma_wait3A_344 = arith.constant 0 : i32
        %dma_wait3A_345 = tpu.memref_slice %arg6[%and3A_264, %dma_wait3A_336, %dma_wait3A_337, %dma_wait3A_338, %dma_wait3A_344] : memref<2x1x1x8x128xi32, #tpu.memory_space<vmem>> -> memref<1x1x1x1x128xi32, #tpu.memory_space<vmem>>
        %dma_wait3A_346 = tpu.memref_squeeze %dma_wait3A_345 : memref<1x1x1x1x128xi32, #tpu.memory_space<vmem>> -> memref<128xi32, #tpu.memory_space<vmem>>
        %dma_wait3A_347 = arith.constant 0 : i32
        %dma_wait3A_348 = arith.constant 0 : i32
        %dma_wait3A_349 = tpu.memref_slice %arg3[%dma_wait3A_347, %dma_wait3A_348] : memref<1000000x32xf32, #tpu.memory_space<hbm>> -> memref<1000000x32xf32, #tpu.memory_space<hbm>>
        tpu.wait_indirect_dma semaphore(%arg10 : memref<!tpu.dma_semaphore, #tpu.memory_space<semaphore_mem>>) src(%dma_wait3A_349 : memref<1000000x32xf32, #tpu.memory_space<hbm>>) dst(%dma_wait3A_343 : memref<128x32xf32, #tpu.memory_space<vmem>>)
        %dma_wait3A_350 = arith.constant 0 : i32
        %dma_wait3A_351 = arith.constant 0 : i32
        %dma_wait3A_352 = arith.constant 4 : i32
        %dma_wait3A_353 = arith.constant 4 : i32
        %dma_wait3A_354 = arith.constant 0 : i32
        %dma_wait3A_355 = arith.constant 0 : i32
        %dma_wait3A_356 = tpu.memref_slice %arg7[%and3A_264, %dma_wait3A_353, %dma_wait3A_354, %dma_wait3A_355] : memref<2x8x128x32xf32, #tpu.memory_space<vmem>> -> memref<1x1x128x32xf32, #tpu.memory_space<vmem>>
        %dma_wait3A_357 = tpu.memref_squeeze %dma_wait3A_356 : memref<1x1x128x32xf32, #tpu.memory_space<vmem>> -> memref<128x32xf32, #tpu.memory_space<vmem>>
        %dma_wait3A_358 = arith.constant 0 : i32
        %dma_wait3A_359 = tpu.memref_slice %arg6[%and3A_264, %dma_wait3A_350, %dma_wait3A_351, %dma_wait3A_352, %dma_wait3A_358] : memref<2x1x1x8x128xi32, #tpu.memory_space<vmem>> -> memref<1x1x1x1x128xi32, #tpu.memory_space<vmem>>
        %dma_wait3A_360 = tpu.memref_squeeze %dma_wait3A_359 : memref<1x1x1x1x128xi32, #tpu.memory_space<vmem>> -> memref<128xi32, #tpu.memory_space<vmem>>
        %dma_wait3A_361 = arith.constant 0 : i32
        %dma_wait3A_362 = arith.constant 0 : i32
        %dma_wait3A_363 = tpu.memref_slice %arg3[%dma_wait3A_361, %dma_wait3A_362] : memref<1000000x32xf32, #tpu.memory_space<hbm>> -> memref<1000000x32xf32, #tpu.memory_space<hbm>>
        tpu.wait_indirect_dma semaphore(%arg10 : memref<!tpu.dma_semaphore, #tpu.memory_space<semaphore_mem>>) src(%dma_wait3A_363 : memref<1000000x32xf32, #tpu.memory_space<hbm>>) dst(%dma_wait3A_357 : memref<128x32xf32, #tpu.memory_space<vmem>>)
        %dma_wait3A_364 = arith.constant 0 : i32
        %dma_wait3A_365 = arith.constant 0 : i32
        %dma_wait3A_366 = arith.constant 5 : i32
        %dma_wait3A_367 = arith.constant 5 : i32
        %dma_wait3A_368 = arith.constant 0 : i32
        %dma_wait3A_369 = arith.constant 0 : i32
        %dma_wait3A_370 = tpu.memref_slice %arg7[%and3A_264, %dma_wait3A_367, %dma_wait3A_368, %dma_wait3A_369] : memref<2x8x128x32xf32, #tpu.memory_space<vmem>> -> memref<1x1x128x32xf32, #tpu.memory_space<vmem>>
        %dma_wait3A_371 = tpu.memref_squeeze %dma_wait3A_370 : memref<1x1x128x32xf32, #tpu.memory_space<vmem>> -> memref<128x32xf32, #tpu.memory_space<vmem>>
        %dma_wait3A_372 = arith.constant 0 : i32
        %dma_wait3A_373 = tpu.memref_slice %arg6[%and3A_264, %dma_wait3A_364, %dma_wait3A_365, %dma_wait3A_366, %dma_wait3A_372] : memref<2x1x1x8x128xi32, #tpu.memory_space<vmem>> -> memref<1x1x1x1x128xi32, #tpu.memory_space<vmem>>
        %dma_wait3A_374 = tpu.memref_squeeze %dma_wait3A_373 : memref<1x1x1x1x128xi32, #tpu.memory_space<vmem>> -> memref<128xi32, #tpu.memory_space<vmem>>
        %dma_wait3A_375 = arith.constant 0 : i32
        %dma_wait3A_376 = arith.constant 0 : i32
        %dma_wait3A_377 = tpu.memref_slice %arg3[%dma_wait3A_375, %dma_wait3A_376] : memref<1000000x32xf32, #tpu.memory_space<hbm>> -> memref<1000000x32xf32, #tpu.memory_space<hbm>>
        tpu.wait_indirect_dma semaphore(%arg10 : memref<!tpu.dma_semaphore, #tpu.memory_space<semaphore_mem>>) src(%dma_wait3A_377 : memref<1000000x32xf32, #tpu.memory_space<hbm>>) dst(%dma_wait3A_371 : memref<128x32xf32, #tpu.memory_space<vmem>>)
        %dma_wait3A_378 = arith.constant 0 : i32
        %dma_wait3A_379 = arith.constant 0 : i32
        %dma_wait3A_380 = arith.constant 6 : i32
        %dma_wait3A_381 = arith.constant 6 : i32
        %dma_wait3A_382 = arith.constant 0 : i32
        %dma_wait3A_383 = arith.constant 0 : i32
        %dma_wait3A_384 = tpu.memref_slice %arg7[%and3A_264, %dma_wait3A_381, %dma_wait3A_382, %dma_wait3A_383] : memref<2x8x128x32xf32, #tpu.memory_space<vmem>> -> memref<1x1x128x32xf32, #tpu.memory_space<vmem>>
        %dma_wait3A_385 = tpu.memref_squeeze %dma_wait3A_384 : memref<1x1x128x32xf32, #tpu.memory_space<vmem>> -> memref<128x32xf32, #tpu.memory_space<vmem>>
        %dma_wait3A_386 = arith.constant 0 : i32
        %dma_wait3A_387 = tpu.memref_slice %arg6[%and3A_264, %dma_wait3A_378, %dma_wait3A_379, %dma_wait3A_380, %dma_wait3A_386] : memref<2x1x1x8x128xi32, #tpu.memory_space<vmem>> -> memref<1x1x1x1x128xi32, #tpu.memory_space<vmem>>
        %dma_wait3A_388 = tpu.memref_squeeze %dma_wait3A_387 : memref<1x1x1x1x128xi32, #tpu.memory_space<vmem>> -> memref<128xi32, #tpu.memory_space<vmem>>
        %dma_wait3A_389 = arith.constant 0 : i32
        %dma_wait3A_390 = arith.constant 0 : i32
        %dma_wait3A_391 = tpu.memref_slice %arg3[%dma_wait3A_389, %dma_wait3A_390] : memref<1000000x32xf32, #tpu.memory_space<hbm>> -> memref<1000000x32xf32, #tpu.memory_space<hbm>>
        tpu.wait_indirect_dma semaphore(%arg10 : memref<!tpu.dma_semaphore, #tpu.memory_space<semaphore_mem>>) src(%dma_wait3A_391 : memref<1000000x32xf32, #tpu.memory_space<hbm>>) dst(%dma_wait3A_385 : memref<128x32xf32, #tpu.memory_space<vmem>>)
        %dma_wait3A_392 = arith.constant 0 : i32
        %dma_wait3A_393 = arith.constant 0 : i32
        %dma_wait3A_394 = arith.constant 7 : i32
        %dma_wait3A_395 = arith.constant 7 : i32
        %dma_wait3A_396 = arith.constant 0 : i32
        %dma_wait3A_397 = arith.constant 0 : i32
        %dma_wait3A_398 = tpu.memref_slice %arg7[%and3A_264, %dma_wait3A_395, %dma_wait3A_396, %dma_wait3A_397] : memref<2x8x128x32xf32, #tpu.memory_space<vmem>> -> memref<1x1x128x32xf32, #tpu.memory_space<vmem>>
        %dma_wait3A_399 = tpu.memref_squeeze %dma_wait3A_398 : memref<1x1x128x32xf32, #tpu.memory_space<vmem>> -> memref<128x32xf32, #tpu.memory_space<vmem>>
        %dma_wait3A_400 = arith.constant 0 : i32
        %dma_wait3A_401 = tpu.memref_slice %arg6[%and3A_264, %dma_wait3A_392, %dma_wait3A_393, %dma_wait3A_394, %dma_wait3A_400] : memref<2x1x1x8x128xi32, #tpu.memory_space<vmem>> -> memref<1x1x1x1x128xi32, #tpu.memory_space<vmem>>
        %dma_wait3A_402 = tpu.memref_squeeze %dma_wait3A_401 : memref<1x1x1x1x128xi32, #tpu.memory_space<vmem>> -> memref<128xi32, #tpu.memory_space<vmem>>
        %dma_wait3A_403 = arith.constant 0 : i32
        %dma_wait3A_404 = arith.constant 0 : i32
        %dma_wait3A_405 = tpu.memref_slice %arg3[%dma_wait3A_403, %dma_wait3A_404] : memref<1000000x32xf32, #tpu.memory_space<hbm>> -> memref<1000000x32xf32, #tpu.memory_space<hbm>>
        tpu.wait_indirect_dma semaphore(%arg10 : memref<!tpu.dma_semaphore, #tpu.memory_space<semaphore_mem>>) src(%dma_wait3A_405 : memref<1000000x32xf32, #tpu.memory_space<hbm>>) dst(%dma_wait3A_399 : memref<128x32xf32, #tpu.memory_space<vmem>>)
      } else {
      }
      %eq3A_281 = arith.constant 1 : i32
      %eq3A_282 = arith.cmpi eq, %and3A_264, %eq3A_281 : i32
      %convert_element_type3A_283 = arith.extui %eq3A_282 : i1 to i32
      %cond3A_284 = arith.constant 0 : i32
      %cond3A_285 = arith.cmpi ne, %convert_element_type3A_283, %cond3A_284 : i32
      scf.if %cond3A_285 {
        %dma_wait3A_294 = arith.constant 0 : i32
        %dma_wait3A_295 = arith.constant 0 : i32
        %dma_wait3A_296 = arith.constant 0 : i32
        %dma_wait3A_297 = arith.constant 0 : i32
        %dma_wait3A_298 = arith.constant 0 : i32
        %dma_wait3A_299 = arith.constant 0 : i32
        %dma_wait3A_300 = tpu.memref_slice %arg7[%and3A_264, %dma_wait3A_297, %dma_wait3A_298, %dma_wait3A_299] : memref<2x8x128x32xf32, #tpu.memory_space<vmem>> -> memref<1x1x128x32xf32, #tpu.memory_space<vmem>>
        %dma_wait3A_301 = tpu.memref_squeeze %dma_wait3A_300 : memref<1x1x128x32xf32, #tpu.memory_space<vmem>> -> memref<128x32xf32, #tpu.memory_space<vmem>>
        %dma_wait3A_302 = arith.constant 0 : i32
        %dma_wait3A_303 = tpu.memref_slice %arg6[%and3A_264, %dma_wait3A_294, %dma_wait3A_295, %dma_wait3A_296, %dma_wait3A_302] : memref<2x1x1x8x128xi32, #tpu.memory_space<vmem>> -> memref<1x1x1x1x128xi32, #tpu.memory_space<vmem>>
        %dma_wait3A_304 = tpu.memref_squeeze %dma_wait3A_303 : memref<1x1x1x1x128xi32, #tpu.memory_space<vmem>> -> memref<128xi32, #tpu.memory_space<vmem>>
        %dma_wait3A_305 = arith.constant 0 : i32
        %dma_wait3A_306 = arith.constant 0 : i32
        %dma_wait3A_307 = tpu.memref_slice %arg3[%dma_wait3A_305, %dma_wait3A_306] : memref<1000000x32xf32, #tpu.memory_space<hbm>> -> memref<1000000x32xf32, #tpu.memory_space<hbm>>
        tpu.wait_indirect_dma semaphore(%arg11 : memref<!tpu.dma_semaphore, #tpu.memory_space<semaphore_mem>>) src(%dma_wait3A_307 : memref<1000000x32xf32, #tpu.memory_space<hbm>>) dst(%dma_wait3A_301 : memref<128x32xf32, #tpu.memory_space<vmem>>)
        %dma_wait3A_308 = arith.constant 0 : i32
        %dma_wait3A_309 = arith.constant 0 : i32
        %dma_wait3A_310 = arith.constant 1 : i32
        %dma_wait3A_311 = arith.constant 1 : i32
        %dma_wait3A_312 = arith.constant 0 : i32
        %dma_wait3A_313 = arith.constant 0 : i32
        %dma_wait3A_314 = tpu.memref_slice %arg7[%and3A_264, %dma_wait3A_311, %dma_wait3A_312, %dma_wait3A_313] : memref<2x8x128x32xf32, #tpu.memory_space<vmem>> -> memref<1x1x128x32xf32, #tpu.memory_space<vmem>>
        %dma_wait3A_315 = tpu.memref_squeeze %dma_wait3A_314 : memref<1x1x128x32xf32, #tpu.memory_space<vmem>> -> memref<128x32xf32, #tpu.memory_space<vmem>>
        %dma_wait3A_316 = arith.constant 0 : i32
        %dma_wait3A_317 = tpu.memref_slice %arg6[%and3A_264, %dma_wait3A_308, %dma_wait3A_309, %dma_wait3A_310, %dma_wait3A_316] : memref<2x1x1x8x128xi32, #tpu.memory_space<vmem>> -> memref<1x1x1x1x128xi32, #tpu.memory_space<vmem>>
        %dma_wait3A_318 = tpu.memref_squeeze %dma_wait3A_317 : memref<1x1x1x1x128xi32, #tpu.memory_space<vmem>> -> memref<128xi32, #tpu.memory_space<vmem>>
        %dma_wait3A_319 = arith.constant 0 : i32
        %dma_wait3A_320 = arith.constant 0 : i32
        %dma_wait3A_321 = tpu.memref_slice %arg3[%dma_wait3A_319, %dma_wait3A_320] : memref<1000000x32xf32, #tpu.memory_space<hbm>> -> memref<1000000x32xf32, #tpu.memory_space<hbm>>
        tpu.wait_indirect_dma semaphore(%arg11 : memref<!tpu.dma_semaphore, #tpu.memory_space<semaphore_mem>>) src(%dma_wait3A_321 : memref<1000000x32xf32, #tpu.memory_space<hbm>>) dst(%dma_wait3A_315 : memref<128x32xf32, #tpu.memory_space<vmem>>)
        %dma_wait3A_322 = arith.constant 0 : i32
        %dma_wait3A_323 = arith.constant 0 : i32
        %dma_wait3A_324 = arith.constant 2 : i32
        %dma_wait3A_325 = arith.constant 2 : i32
        %dma_wait3A_326 = arith.constant 0 : i32
        %dma_wait3A_327 = arith.constant 0 : i32
        %dma_wait3A_328 = tpu.memref_slice %arg7[%and3A_264, %dma_wait3A_325, %dma_wait3A_326, %dma_wait3A_327] : memref<2x8x128x32xf32, #tpu.memory_space<vmem>> -> memref<1x1x128x32xf32, #tpu.memory_space<vmem>>
        %dma_wait3A_329 = tpu.memref_squeeze %dma_wait3A_328 : memref<1x1x128x32xf32, #tpu.memory_space<vmem>> -> memref<128x32xf32, #tpu.memory_space<vmem>>
        %dma_wait3A_330 = arith.constant 0 : i32
        %dma_wait3A_331 = tpu.memref_slice %arg6[%and3A_264, %dma_wait3A_322, %dma_wait3A_323, %dma_wait3A_324, %dma_wait3A_330] : memref<2x1x1x8x128xi32, #tpu.memory_space<vmem>> -> memref<1x1x1x1x128xi32, #tpu.memory_space<vmem>>
        %dma_wait3A_332 = tpu.memref_squeeze %dma_wait3A_331 : memref<1x1x1x1x128xi32, #tpu.memory_space<vmem>> -> memref<128xi32, #tpu.memory_space<vmem>>
        %dma_wait3A_333 = arith.constant 0 : i32
        %dma_wait3A_334 = arith.constant 0 : i32
        %dma_wait3A_335 = tpu.memref_slice %arg3[%dma_wait3A_333, %dma_wait3A_334] : memref<1000000x32xf32, #tpu.memory_space<hbm>> -> memref<1000000x32xf32, #tpu.memory_space<hbm>>
        tpu.wait_indirect_dma semaphore(%arg11 : memref<!tpu.dma_semaphore, #tpu.memory_space<semaphore_mem>>) src(%dma_wait3A_335 : memref<1000000x32xf32, #tpu.memory_space<hbm>>) dst(%dma_wait3A_329 : memref<128x32xf32, #tpu.memory_space<vmem>>)
        %dma_wait3A_336 = arith.constant 0 : i32
        %dma_wait3A_337 = arith.constant 0 : i32
        %dma_wait3A_338 = arith.constant 3 : i32
        %dma_wait3A_339 = arith.constant 3 : i32
        %dma_wait3A_340 = arith.constant 0 : i32
        %dma_wait3A_341 = arith.constant 0 : i32
        %dma_wait3A_342 = tpu.memref_slice %arg7[%and3A_264, %dma_wait3A_339, %dma_wait3A_340, %dma_wait3A_341] : memref<2x8x128x32xf32, #tpu.memory_space<vmem>> -> memref<1x1x128x32xf32, #tpu.memory_space<vmem>>
        %dma_wait3A_343 = tpu.memref_squeeze %dma_wait3A_342 : memref<1x1x128x32xf32, #tpu.memory_space<vmem>> -> memref<128x32xf32, #tpu.memory_space<vmem>>
        %dma_wait3A_344 = arith.constant 0 : i32
        %dma_wait3A_345 = tpu.memref_slice %arg6[%and3A_264, %dma_wait3A_336, %dma_wait3A_337, %dma_wait3A_338, %dma_wait3A_344] : memref<2x1x1x8x128xi32, #tpu.memory_space<vmem>> -> memref<1x1x1x1x128xi32, #tpu.memory_space<vmem>>
        %dma_wait3A_346 = tpu.memref_squeeze %dma_wait3A_345 : memref<1x1x1x1x128xi32, #tpu.memory_space<vmem>> -> memref<128xi32, #tpu.memory_space<vmem>>
        %dma_wait3A_347 = arith.constant 0 : i32
        %dma_wait3A_348 = arith.constant 0 : i32
        %dma_wait3A_349 = tpu.memref_slice %arg3[%dma_wait3A_347, %dma_wait3A_348] : memref<1000000x32xf32, #tpu.memory_space<hbm>> -> memref<1000000x32xf32, #tpu.memory_space<hbm>>
        tpu.wait_indirect_dma semaphore(%arg11 : memref<!tpu.dma_semaphore, #tpu.memory_space<semaphore_mem>>) src(%dma_wait3A_349 : memref<1000000x32xf32, #tpu.memory_space<hbm>>) dst(%dma_wait3A_343 : memref<128x32xf32, #tpu.memory_space<vmem>>)
        %dma_wait3A_350 = arith.constant 0 : i32
        %dma_wait3A_351 = arith.constant 0 : i32
        %dma_wait3A_352 = arith.constant 4 : i32
        %dma_wait3A_353 = arith.constant 4 : i32
        %dma_wait3A_354 = arith.constant 0 : i32
        %dma_wait3A_355 = arith.constant 0 : i32
        %dma_wait3A_356 = tpu.memref_slice %arg7[%and3A_264, %dma_wait3A_353, %dma_wait3A_354, %dma_wait3A_355] : memref<2x8x128x32xf32, #tpu.memory_space<vmem>> -> memref<1x1x128x32xf32, #tpu.memory_space<vmem>>
        %dma_wait3A_357 = tpu.memref_squeeze %dma_wait3A_356 : memref<1x1x128x32xf32, #tpu.memory_space<vmem>> -> memref<128x32xf32, #tpu.memory_space<vmem>>
        %dma_wait3A_358 = arith.constant 0 : i32
        %dma_wait3A_359 = tpu.memref_slice %arg6[%and3A_264, %dma_wait3A_350, %dma_wait3A_351, %dma_wait3A_352, %dma_wait3A_358] : memref<2x1x1x8x128xi32, #tpu.memory_space<vmem>> -> memref<1x1x1x1x128xi32, #tpu.memory_space<vmem>>
        %dma_wait3A_360 = tpu.memref_squeeze %dma_wait3A_359 : memref<1x1x1x1x128xi32, #tpu.memory_space<vmem>> -> memref<128xi32, #tpu.memory_space<vmem>>
        %dma_wait3A_361 = arith.constant 0 : i32
        %dma_wait3A_362 = arith.constant 0 : i32
        %dma_wait3A_363 = tpu.memref_slice %arg3[%dma_wait3A_361, %dma_wait3A_362] : memref<1000000x32xf32, #tpu.memory_space<hbm>> -> memref<1000000x32xf32, #tpu.memory_space<hbm>>
        tpu.wait_indirect_dma semaphore(%arg11 : memref<!tpu.dma_semaphore, #tpu.memory_space<semaphore_mem>>) src(%dma_wait3A_363 : memref<1000000x32xf32, #tpu.memory_space<hbm>>) dst(%dma_wait3A_357 : memref<128x32xf32, #tpu.memory_space<vmem>>)
        %dma_wait3A_364 = arith.constant 0 : i32
        %dma_wait3A_365 = arith.constant 0 : i32
        %dma_wait3A_366 = arith.constant 5 : i32
        %dma_wait3A_367 = arith.constant 5 : i32
        %dma_wait3A_368 = arith.constant 0 : i32
        %dma_wait3A_369 = arith.constant 0 : i32
        %dma_wait3A_370 = tpu.memref_slice %arg7[%and3A_264, %dma_wait3A_367, %dma_wait3A_368, %dma_wait3A_369] : memref<2x8x128x32xf32, #tpu.memory_space<vmem>> -> memref<1x1x128x32xf32, #tpu.memory_space<vmem>>
        %dma_wait3A_371 = tpu.memref_squeeze %dma_wait3A_370 : memref<1x1x128x32xf32, #tpu.memory_space<vmem>> -> memref<128x32xf32, #tpu.memory_space<vmem>>
        %dma_wait3A_372 = arith.constant 0 : i32
        %dma_wait3A_373 = tpu.memref_slice %arg6[%and3A_264, %dma_wait3A_364, %dma_wait3A_365, %dma_wait3A_366, %dma_wait3A_372] : memref<2x1x1x8x128xi32, #tpu.memory_space<vmem>> -> memref<1x1x1x1x128xi32, #tpu.memory_space<vmem>>
        %dma_wait3A_374 = tpu.memref_squeeze %dma_wait3A_373 : memref<1x1x1x1x128xi32, #tpu.memory_space<vmem>> -> memref<128xi32, #tpu.memory_space<vmem>>
        %dma_wait3A_375 = arith.constant 0 : i32
        %dma_wait3A_376 = arith.constant 0 : i32
        %dma_wait3A_377 = tpu.memref_slice %arg3[%dma_wait3A_375, %dma_wait3A_376] : memref<1000000x32xf32, #tpu.memory_space<hbm>> -> memref<1000000x32xf32, #tpu.memory_space<hbm>>
        tpu.wait_indirect_dma semaphore(%arg11 : memref<!tpu.dma_semaphore, #tpu.memory_space<semaphore_mem>>) src(%dma_wait3A_377 : memref<1000000x32xf32, #tpu.memory_space<hbm>>) dst(%dma_wait3A_371 : memref<128x32xf32, #tpu.memory_space<vmem>>)
        %dma_wait3A_378 = arith.constant 0 : i32
        %dma_wait3A_379 = arith.constant 0 : i32
        %dma_wait3A_380 = arith.constant 6 : i32
        %dma_wait3A_381 = arith.constant 6 : i32
        %dma_wait3A_382 = arith.constant 0 : i32
        %dma_wait3A_383 = arith.constant 0 : i32
        %dma_wait3A_384 = tpu.memref_slice %arg7[%and3A_264, %dma_wait3A_381, %dma_wait3A_382, %dma_wait3A_383] : memref<2x8x128x32xf32, #tpu.memory_space<vmem>> -> memref<1x1x128x32xf32, #tpu.memory_space<vmem>>
        %dma_wait3A_385 = tpu.memref_squeeze %dma_wait3A_384 : memref<1x1x128x32xf32, #tpu.memory_space<vmem>> -> memref<128x32xf32, #tpu.memory_space<vmem>>
        %dma_wait3A_386 = arith.constant 0 : i32
        %dma_wait3A_387 = tpu.memref_slice %arg6[%and3A_264, %dma_wait3A_378, %dma_wait3A_379, %dma_wait3A_380, %dma_wait3A_386] : memref<2x1x1x8x128xi32, #tpu.memory_space<vmem>> -> memref<1x1x1x1x128xi32, #tpu.memory_space<vmem>>
        %dma_wait3A_388 = tpu.memref_squeeze %dma_wait3A_387 : memref<1x1x1x1x128xi32, #tpu.memory_space<vmem>> -> memref<128xi32, #tpu.memory_space<vmem>>
        %dma_wait3A_389 = arith.constant 0 : i32
        %dma_wait3A_390 = arith.constant 0 : i32
        %dma_wait3A_391 = tpu.memref_slice %arg3[%dma_wait3A_389, %dma_wait3A_390] : memref<1000000x32xf32, #tpu.memory_space<hbm>> -> memref<1000000x32xf32, #tpu.memory_space<hbm>>
        tpu.wait_indirect_dma semaphore(%arg11 : memref<!tpu.dma_semaphore, #tpu.memory_space<semaphore_mem>>) src(%dma_wait3A_391 : memref<1000000x32xf32, #tpu.memory_space<hbm>>) dst(%dma_wait3A_385 : memref<128x32xf32, #tpu.memory_space<vmem>>)
        %dma_wait3A_392 = arith.constant 0 : i32
        %dma_wait3A_393 = arith.constant 0 : i32
        %dma_wait3A_394 = arith.constant 7 : i32
        %dma_wait3A_395 = arith.constant 7 : i32
        %dma_wait3A_396 = arith.constant 0 : i32
        %dma_wait3A_397 = arith.constant 0 : i32
        %dma_wait3A_398 = tpu.memref_slice %arg7[%and3A_264, %dma_wait3A_395, %dma_wait3A_396, %dma_wait3A_397] : memref<2x8x128x32xf32, #tpu.memory_space<vmem>> -> memref<1x1x128x32xf32, #tpu.memory_space<vmem>>
        %dma_wait3A_399 = tpu.memref_squeeze %dma_wait3A_398 : memref<1x1x128x32xf32, #tpu.memory_space<vmem>> -> memref<128x32xf32, #tpu.memory_space<vmem>>
        %dma_wait3A_400 = arith.constant 0 : i32
        %dma_wait3A_401 = tpu.memref_slice %arg6[%and3A_264, %dma_wait3A_392, %dma_wait3A_393, %dma_wait3A_394, %dma_wait3A_400] : memref<2x1x1x8x128xi32, #tpu.memory_space<vmem>> -> memref<1x1x1x1x128xi32, #tpu.memory_space<vmem>>
        %dma_wait3A_402 = tpu.memref_squeeze %dma_wait3A_401 : memref<1x1x1x1x128xi32, #tpu.memory_space<vmem>> -> memref<128xi32, #tpu.memory_space<vmem>>
        %dma_wait3A_403 = arith.constant 0 : i32
        %dma_wait3A_404 = arith.constant 0 : i32
        %dma_wait3A_405 = tpu.memref_slice %arg3[%dma_wait3A_403, %dma_wait3A_404] : memref<1000000x32xf32, #tpu.memory_space<hbm>> -> memref<1000000x32xf32, #tpu.memory_space<hbm>>
        tpu.wait_indirect_dma semaphore(%arg11 : memref<!tpu.dma_semaphore, #tpu.memory_space<semaphore_mem>>) src(%dma_wait3A_405 : memref<1000000x32xf32, #tpu.memory_space<hbm>>) dst(%dma_wait3A_399 : memref<128x32xf32, #tpu.memory_space<vmem>>)
      } else {
      }
      %scan3A_286 = arith.constant 0 : i32
      %scan3A_287 = arith.constant 0 : i32
      %scan3A_288 = arith.constant 8 : i32
      %scan3A_289 = arith.addi %scan3A_287, %scan3A_288 : i32
      %scan3A_290 = arith.constant 1 : i32
      %scan3A_291 = scf.for %scan3A_294 = %scan3A_287 to %scan3A_289 step %scan3A_290 iter_args(%scan3A_295 = %scan3A_286) -> (i32)  : i32 {
        %add3A_296 = arith.addi %mul3A_269, %scan3A_294 : i32
        %broadcast_in_dim3A_297 = vector.broadcast %add3A_296 : i32 to vector<16xi32>
        %parallel_loop3A = arith.constant 0 : i32
        %parallel_loop3A_298 = arith.constant 32 : i32
        %parallel_loop3A_299 = arith.constant 1 : i32
        scf.for %parallel_loop3A_301 = %parallel_loop3A to %parallel_loop3A_298 step %parallel_loop3A_299  : i32 {
          %parallel_loop3A_302 = vector.broadcast %parallel_loop3A_301 : i32 to vector<16xi32>
          %parallel_loop3A_303 = arith.constant 16 : i32
          %parallel_loop3A_304 = vector.broadcast %parallel_loop3A_303 : i32 to vector<16xi32>
          %parallel_loop3A_305 = arith.andi %parallel_loop3A_302, %parallel_loop3A_304 : vector<16xi32>
          %parallel_loop3A_306 = arith.addi %iota3A, %parallel_loop3A_302 : vector<16xi32>
          %parallel_loop3A_307 = arith.constant 15 : i32
          %parallel_loop3A_308 = vector.broadcast %parallel_loop3A_307 : i32 to vector<16xi32>
          %parallel_loop3A_309 = arith.andi %parallel_loop3A_306, %parallel_loop3A_308 : vector<16xi32>
          %parallel_loop3A_310 = arith.addi %parallel_loop3A_305, %parallel_loop3A_309 : vector<16xi32>
          %parallel_loop3A_311 = tpu.vector_load_idx %arg9[%broadcast_in_dim3A_297, %parallel_loop3A_310] : memref<200x32xf32, #tpu.memory_space<vmem>>[vector<16xi32>, vector<16xi32>], vector<16xf32>,
          %parallel_loop3A_312 = arith.constant 3 : i32
          %parallel_loop3A_313 = vector.broadcast %parallel_loop3A_312 : i32 to vector<16xi32>
          %parallel_loop3A_314 = arith.shrsi %parallel_loop3A_310, %parallel_loop3A_313 : vector<16xi32>
          %parallel_loop3A_315 = arith.constant 7 : i32
          %parallel_loop3A_316 = vector.broadcast %parallel_loop3A_315 : i32 to vector<16xi32>
          %parallel_loop3A_317 = arith.andi %parallel_loop3A_310, %parallel_loop3A_316 : vector<16xi32>
          %parallel_loop3A_318 = arith.constant 0 : i32
          %parallel_loop3A_319 = vector.broadcast %parallel_loop3A_318 : i32 to vector<16xi32>
          %parallel_loop3A_320 = arith.addi %parallel_loop3A_319, %iota3A : vector<16xi32>
          %parallel_loop3A_321 = arith.constant 0 : i32
          %parallel_loop3A_322 = arith.constant 0 : i32
          %parallel_loop3A_323 = tpu.memref_slice %arg7[%and3A_264, %scan3A_294, %parallel_loop3A_321, %parallel_loop3A_322] : memref<2x8x128x32xf32, #tpu.memory_space<vmem>> -> memref<1x1x128x32xf32, #tpu.memory_space<vmem>>
          %parallel_loop3A_324 = tpu.memref_squeeze %parallel_loop3A_323 : memref<1x1x128x32xf32, #tpu.memory_space<vmem>> -> memref<128x32xf32, #tpu.memory_space<vmem>>
          %parallel_loop3A_325 = tpu.vector_load_idx %parallel_loop3A_324[%parallel_loop3A_320, %parallel_loop3A_310] : memref<128x32xf32, #tpu.memory_space<vmem>>[vector<16xi32>, vector<16xi32>], vector<16xf32>,
          %parallel_loop3A_326 = arith.addf %parallel_loop3A_325, %parallel_loop3A_311 : vector<16xf32>
          %parallel_loop3A_327 = arith.constant 0 : i32
          %parallel_loop3A_328 = arith.constant 0 : i32
          %parallel_loop3A_329 = arith.constant 0 : i32
          %parallel_loop3A_330 = arith.constant 0 : i32
          %parallel_loop3A_331 = tpu.memref_slice %arg8[%scan3A_294, %parallel_loop3A_327, %parallel_loop3A_328, %parallel_loop3A_329, %parallel_loop3A_330] : memref<8x4x1x8x128xf32, #tpu.memory_space<vmem>> -> memref<1x4x1x8x128xf32, #tpu.memory_space<vmem>>
          %parallel_loop3A_332 = tpu.memref_squeeze %parallel_loop3A_331 : memref<1x4x1x8x128xf32, #tpu.memory_space<vmem>> -> memref<4x1x8x128xf32, #tpu.memory_space<vmem>>
          tpu.vector_store_idx %parallel_loop3A_332[%parallel_loop3A_314, %broadcast_in_dim3A_1, %parallel_loop3A_317, %parallel_loop3A_320], %parallel_loop3A_326 : memref<4x1x8x128xf32, #tpu.memory_space<vmem>>[vector<16xi32>, vector<16xi32>, vector<16xi32>, vector<16xi32>], vector<16xf32>,
          %parallel_loop3A_333 = arith.constant 16 : i32
          %parallel_loop3A_334 = vector.broadcast %parallel_loop3A_333 : i32 to vector<16xi32>
          %parallel_loop3A_335 = arith.addi %parallel_loop3A_334, %iota3A : vector<16xi32>
          %parallel_loop3A_336 = arith.constant 0 : i32
          %parallel_loop3A_337 = arith.constant 0 : i32
          %parallel_loop3A_338 = tpu.memref_slice %arg7[%and3A_264, %scan3A_294, %parallel_loop3A_336, %parallel_loop3A_337] : memref<2x8x128x32xf32, #tpu.memory_space<vmem>> -> memref<1x1x128x32xf32, #tpu.memory_space<vmem>>
          %parallel_loop3A_339 = tpu.memref_squeeze %parallel_loop3A_338 : memref<1x1x128x32xf32, #tpu.memory_space<vmem>> -> memref<128x32xf32, #tpu.memory_space<vmem>>
          %parallel_loop3A_340 = tpu.vector_load_idx %parallel_loop3A_339[%parallel_loop3A_335, %parallel_loop3A_310] : memref<128x32xf32, #tpu.memory_space<vmem>>[vector<16xi32>, vector<16xi32>], vector<16xf32>,
          %parallel_loop3A_341 = arith.addf %parallel_loop3A_340, %parallel_loop3A_311 : vector<16xf32>
          %parallel_loop3A_342 = arith.constant 0 : i32
          %parallel_loop3A_343 = arith.constant 0 : i32
          %parallel_loop3A_344 = arith.constant 0 : i32
          %parallel_loop3A_345 = arith.constant 0 : i32
          %parallel_loop3A_346 = tpu.memref_slice %arg8[%scan3A_294, %parallel_loop3A_342, %parallel_loop3A_343, %parallel_loop3A_344, %parallel_loop3A_345] : memref<8x4x1x8x128xf32, #tpu.memory_space<vmem>> -> memref<1x4x1x8x128xf32, #tpu.memory_space<vmem>>
          %parallel_loop3A_347 = tpu.memref_squeeze %parallel_loop3A_346 : memref<1x4x1x8x128xf32, #tpu.memory_space<vmem>> -> memref<4x1x8x128xf32, #tpu.memory_space<vmem>>
          tpu.vector_store_idx %parallel_loop3A_347[%parallel_loop3A_314, %broadcast_in_dim3A_1, %parallel_loop3A_317, %parallel_loop3A_335], %parallel_loop3A_341 : memref<4x1x8x128xf32, #tpu.memory_space<vmem>>[vector<16xi32>, vector<16xi32>, vector<16xi32>, vector<16xi32>], vector<16xf32>,
          %parallel_loop3A_348 = arith.constant 32 : i32
          %parallel_loop3A_349 = vector.broadcast %parallel_loop3A_348 : i32 to vector<16xi32>
          %parallel_loop3A_350 = arith.addi %parallel_loop3A_349, %iota3A : vector<16xi32>
          %parallel_loop3A_351 = arith.constant 0 : i32
          %parallel_loop3A_352 = arith.constant 0 : i32
          %parallel_loop3A_353 = tpu.memref_slice %arg7[%and3A_264, %scan3A_294, %parallel_loop3A_351, %parallel_loop3A_352] : memref<2x8x128x32xf32, #tpu.memory_space<vmem>> -> memref<1x1x128x32xf32, #tpu.memory_space<vmem>>
          %parallel_loop3A_354 = tpu.memref_squeeze %parallel_loop3A_353 : memref<1x1x128x32xf32, #tpu.memory_space<vmem>> -> memref<128x32xf32, #tpu.memory_space<vmem>>
          %parallel_loop3A_355 = tpu.vector_load_idx %parallel_loop3A_354[%parallel_loop3A_350, %parallel_loop3A_310] : memref<128x32xf32, #tpu.memory_space<vmem>>[vector<16xi32>, vector<16xi32>], vector<16xf32>,
          %parallel_loop3A_356 = arith.addf %parallel_loop3A_355, %parallel_loop3A_311 : vector<16xf32>
          %parallel_loop3A_357 = arith.constant 0 : i32
          %parallel_loop3A_358 = arith.constant 0 : i32
          %parallel_loop3A_359 = arith.constant 0 : i32
          %parallel_loop3A_360 = arith.constant 0 : i32
          %parallel_loop3A_361 = tpu.memref_slice %arg8[%scan3A_294, %parallel_loop3A_357, %parallel_loop3A_358, %parallel_loop3A_359, %parallel_loop3A_360] : memref<8x4x1x8x128xf32, #tpu.memory_space<vmem>> -> memref<1x4x1x8x128xf32, #tpu.memory_space<vmem>>
          %parallel_loop3A_362 = tpu.memref_squeeze %parallel_loop3A_361 : memref<1x4x1x8x128xf32, #tpu.memory_space<vmem>> -> memref<4x1x8x128xf32, #tpu.memory_space<vmem>>
          tpu.vector_store_idx %parallel_loop3A_362[%parallel_loop3A_314, %broadcast_in_dim3A_1, %parallel_loop3A_317, %parallel_loop3A_350], %parallel_loop3A_356 : memref<4x1x8x128xf32, #tpu.memory_space<vmem>>[vector<16xi32>, vector<16xi32>, vector<16xi32>, vector<16xi32>], vector<16xf32>,
          %parallel_loop3A_363 = arith.constant 48 : i32
          %parallel_loop3A_364 = vector.broadcast %parallel_loop3A_363 : i32 to vector<16xi32>
          %parallel_loop3A_365 = arith.addi %parallel_loop3A_364, %iota3A : vector<16xi32>
          %parallel_loop3A_366 = arith.constant 0 : i32
          %parallel_loop3A_367 = arith.constant 0 : i32
          %parallel_loop3A_368 = tpu.memref_slice %arg7[%and3A_264, %scan3A_294, %parallel_loop3A_366, %parallel_loop3A_367] : memref<2x8x128x32xf32, #tpu.memory_space<vmem>> -> memref<1x1x128x32xf32, #tpu.memory_space<vmem>>
          %parallel_loop3A_369 = tpu.memref_squeeze %parallel_loop3A_368 : memref<1x1x128x32xf32, #tpu.memory_space<vmem>> -> memref<128x32xf32, #tpu.memory_space<vmem>>
          %parallel_loop3A_370 = tpu.vector_load_idx %parallel_loop3A_369[%parallel_loop3A_365, %parallel_loop3A_310] : memref<128x32xf32, #tpu.memory_space<vmem>>[vector<16xi32>, vector<16xi32>], vector<16xf32>,
          %parallel_loop3A_371 = arith.addf %parallel_loop3A_370, %parallel_loop3A_311 : vector<16xf32>
          %parallel_loop3A_372 = arith.constant 0 : i32
          %parallel_loop3A_373 = arith.constant 0 : i32
          %parallel_loop3A_374 = arith.constant 0 : i32
          %parallel_loop3A_375 = arith.constant 0 : i32
          %parallel_loop3A_376 = tpu.memref_slice %arg8[%scan3A_294, %parallel_loop3A_372, %parallel_loop3A_373, %parallel_loop3A_374, %parallel_loop3A_375] : memref<8x4x1x8x128xf32, #tpu.memory_space<vmem>> -> memref<1x4x1x8x128xf32, #tpu.memory_space<vmem>>
          %parallel_loop3A_377 = tpu.memref_squeeze %parallel_loop3A_376 : memref<1x4x1x8x128xf32, #tpu.memory_space<vmem>> -> memref<4x1x8x128xf32, #tpu.memory_space<vmem>>
          tpu.vector_store_idx %parallel_loop3A_377[%parallel_loop3A_314, %broadcast_in_dim3A_1, %parallel_loop3A_317, %parallel_loop3A_365], %parallel_loop3A_371 : memref<4x1x8x128xf32, #tpu.memory_space<vmem>>[vector<16xi32>, vector<16xi32>, vector<16xi32>, vector<16xi32>], vector<16xf32>,
          %parallel_loop3A_378 = arith.constant 64 : i32
          %parallel_loop3A_379 = vector.broadcast %parallel_loop3A_378 : i32 to vector<16xi32>
          %parallel_loop3A_380 = arith.addi %parallel_loop3A_379, %iota3A : vector<16xi32>
          %parallel_loop3A_381 = arith.constant 0 : i32
          %parallel_loop3A_382 = arith.constant 0 : i32
          %parallel_loop3A_383 = tpu.memref_slice %arg7[%and3A_264, %scan3A_294, %parallel_loop3A_381, %parallel_loop3A_382] : memref<2x8x128x32xf32, #tpu.memory_space<vmem>> -> memref<1x1x128x32xf32, #tpu.memory_space<vmem>>
          %parallel_loop3A_384 = tpu.memref_squeeze %parallel_loop3A_383 : memref<1x1x128x32xf32, #tpu.memory_space<vmem>> -> memref<128x32xf32, #tpu.memory_space<vmem>>
          %parallel_loop3A_385 = tpu.vector_load_idx %parallel_loop3A_384[%parallel_loop3A_380, %parallel_loop3A_310] : memref<128x32xf32, #tpu.memory_space<vmem>>[vector<16xi32>, vector<16xi32>], vector<16xf32>,
          %parallel_loop3A_386 = arith.addf %parallel_loop3A_385, %parallel_loop3A_311 : vector<16xf32>
          %parallel_loop3A_387 = arith.constant 0 : i32
          %parallel_loop3A_388 = arith.constant 0 : i32
          %parallel_loop3A_389 = arith.constant 0 : i32
          %parallel_loop3A_390 = arith.constant 0 : i32
          %parallel_loop3A_391 = tpu.memref_slice %arg8[%scan3A_294, %parallel_loop3A_387, %parallel_loop3A_388, %parallel_loop3A_389, %parallel_loop3A_390] : memref<8x4x1x8x128xf32, #tpu.memory_space<vmem>> -> memref<1x4x1x8x128xf32, #tpu.memory_space<vmem>>
          %parallel_loop3A_392 = tpu.memref_squeeze %parallel_loop3A_391 : memref<1x4x1x8x128xf32, #tpu.memory_space<vmem>> -> memref<4x1x8x128xf32, #tpu.memory_space<vmem>>
          tpu.vector_store_idx %parallel_loop3A_392[%parallel_loop3A_314, %broadcast_in_dim3A_1, %parallel_loop3A_317, %parallel_loop3A_380], %parallel_loop3A_386 : memref<4x1x8x128xf32, #tpu.memory_space<vmem>>[vector<16xi32>, vector<16xi32>, vector<16xi32>, vector<16xi32>], vector<16xf32>,
          %parallel_loop3A_393 = arith.constant 80 : i32
          %parallel_loop3A_394 = vector.broadcast %parallel_loop3A_393 : i32 to vector<16xi32>
          %parallel_loop3A_395 = arith.addi %parallel_loop3A_394, %iota3A : vector<16xi32>
          %parallel_loop3A_396 = arith.constant 0 : i32
          %parallel_loop3A_397 = arith.constant 0 : i32
          %parallel_loop3A_398 = tpu.memref_slice %arg7[%and3A_264, %scan3A_294, %parallel_loop3A_396, %parallel_loop3A_397] : memref<2x8x128x32xf32, #tpu.memory_space<vmem>> -> memref<1x1x128x32xf32, #tpu.memory_space<vmem>>
          %parallel_loop3A_399 = tpu.memref_squeeze %parallel_loop3A_398 : memref<1x1x128x32xf32, #tpu.memory_space<vmem>> -> memref<128x32xf32, #tpu.memory_space<vmem>>
          %parallel_loop3A_400 = tpu.vector_load_idx %parallel_loop3A_399[%parallel_loop3A_395, %parallel_loop3A_310] : memref<128x32xf32, #tpu.memory_space<vmem>>[vector<16xi32>, vector<16xi32>], vector<16xf32>,
          %parallel_loop3A_401 = arith.addf %parallel_loop3A_400, %parallel_loop3A_311 : vector<16xf32>
          %parallel_loop3A_402 = arith.constant 0 : i32
          %parallel_loop3A_403 = arith.constant 0 : i32
          %parallel_loop3A_404 = arith.constant 0 : i32
          %parallel_loop3A_405 = arith.constant 0 : i32
          %parallel_loop3A_406 = tpu.memref_slice %arg8[%scan3A_294, %parallel_loop3A_402, %parallel_loop3A_403, %parallel_loop3A_404, %parallel_loop3A_405] : memref<8x4x1x8x128xf32, #tpu.memory_space<vmem>> -> memref<1x4x1x8x128xf32, #tpu.memory_space<vmem>>
          %parallel_loop3A_407 = tpu.memref_squeeze %parallel_loop3A_406 : memref<1x4x1x8x128xf32, #tpu.memory_space<vmem>> -> memref<4x1x8x128xf32, #tpu.memory_space<vmem>>
          tpu.vector_store_idx %parallel_loop3A_407[%parallel_loop3A_314, %broadcast_in_dim3A_1, %parallel_loop3A_317, %parallel_loop3A_395], %parallel_loop3A_401 : memref<4x1x8x128xf32, #tpu.memory_space<vmem>>[vector<16xi32>, vector<16xi32>, vector<16xi32>, vector<16xi32>], vector<16xf32>,
          %parallel_loop3A_408 = arith.constant 96 : i32
          %parallel_loop3A_409 = vector.broadcast %parallel_loop3A_408 : i32 to vector<16xi32>
          %parallel_loop3A_410 = arith.addi %parallel_loop3A_409, %iota3A : vector<16xi32>
          %parallel_loop3A_411 = arith.constant 0 : i32
          %parallel_loop3A_412 = arith.constant 0 : i32
          %parallel_loop3A_413 = tpu.memref_slice %arg7[%and3A_264, %scan3A_294, %parallel_loop3A_411, %parallel_loop3A_412] : memref<2x8x128x32xf32, #tpu.memory_space<vmem>> -> memref<1x1x128x32xf32, #tpu.memory_space<vmem>>
          %parallel_loop3A_414 = tpu.memref_squeeze %parallel_loop3A_413 : memref<1x1x128x32xf32, #tpu.memory_space<vmem>> -> memref<128x32xf32, #tpu.memory_space<vmem>>
          %parallel_loop3A_415 = tpu.vector_load_idx %parallel_loop3A_414[%parallel_loop3A_410, %parallel_loop3A_310] : memref<128x32xf32, #tpu.memory_space<vmem>>[vector<16xi32>, vector<16xi32>], vector<16xf32>,
          %parallel_loop3A_416 = arith.addf %parallel_loop3A_415, %parallel_loop3A_311 : vector<16xf32>
          %parallel_loop3A_417 = arith.constant 0 : i32
          %parallel_loop3A_418 = arith.constant 0 : i32
          %parallel_loop3A_419 = arith.constant 0 : i32
          %parallel_loop3A_420 = arith.constant 0 : i32
          %parallel_loop3A_421 = tpu.memref_slice %arg8[%scan3A_294, %parallel_loop3A_417, %parallel_loop3A_418, %parallel_loop3A_419, %parallel_loop3A_420] : memref<8x4x1x8x128xf32, #tpu.memory_space<vmem>> -> memref<1x4x1x8x128xf32, #tpu.memory_space<vmem>>
          %parallel_loop3A_422 = tpu.memref_squeeze %parallel_loop3A_421 : memref<1x4x1x8x128xf32, #tpu.memory_space<vmem>> -> memref<4x1x8x128xf32, #tpu.memory_space<vmem>>
          tpu.vector_store_idx %parallel_loop3A_422[%parallel_loop3A_314, %broadcast_in_dim3A_1, %parallel_loop3A_317, %parallel_loop3A_410], %parallel_loop3A_416 : memref<4x1x8x128xf32, #tpu.memory_space<vmem>>[vector<16xi32>, vector<16xi32>, vector<16xi32>, vector<16xi32>], vector<16xf32>,
          %parallel_loop3A_423 = arith.constant 112 : i32
          %parallel_loop3A_424 = vector.broadcast %parallel_loop3A_423 : i32 to vector<16xi32>
          %parallel_loop3A_425 = arith.addi %parallel_loop3A_424, %iota3A : vector<16xi32>
          %parallel_loop3A_426 = arith.constant 0 : i32
          %parallel_loop3A_427 = arith.constant 0 : i32
          %parallel_loop3A_428 = tpu.memref_slice %arg7[%and3A_264, %scan3A_294, %parallel_loop3A_426, %parallel_loop3A_427] : memref<2x8x128x32xf32, #tpu.memory_space<vmem>> -> memref<1x1x128x32xf32, #tpu.memory_space<vmem>>
          %parallel_loop3A_429 = tpu.memref_squeeze %parallel_loop3A_428 : memref<1x1x128x32xf32, #tpu.memory_space<vmem>> -> memref<128x32xf32, #tpu.memory_space<vmem>>
          %parallel_loop3A_430 = tpu.vector_load_idx %parallel_loop3A_429[%parallel_loop3A_425, %parallel_loop3A_310] : memref<128x32xf32, #tpu.memory_space<vmem>>[vector<16xi32>, vector<16xi32>], vector<16xf32>,
          %parallel_loop3A_431 = arith.addf %parallel_loop3A_430, %parallel_loop3A_311 : vector<16xf32>
          %parallel_loop3A_432 = arith.constant 0 : i32
          %parallel_loop3A_433 = arith.constant 0 : i32
          %parallel_loop3A_434 = arith.constant 0 : i32
          %parallel_loop3A_435 = arith.constant 0 : i32
          %parallel_loop3A_436 = tpu.memref_slice %arg8[%scan3A_294, %parallel_loop3A_432, %parallel_loop3A_433, %parallel_loop3A_434, %parallel_loop3A_435] : memref<8x4x1x8x128xf32, #tpu.memory_space<vmem>> -> memref<1x4x1x8x128xf32, #tpu.memory_space<vmem>>
          %parallel_loop3A_437 = tpu.memref_squeeze %parallel_loop3A_436 : memref<1x4x1x8x128xf32, #tpu.memory_space<vmem>> -> memref<4x1x8x128xf32, #tpu.memory_space<vmem>>
          tpu.vector_store_idx %parallel_loop3A_437[%parallel_loop3A_314, %broadcast_in_dim3A_1, %parallel_loop3A_317, %parallel_loop3A_425], %parallel_loop3A_431 : memref<4x1x8x128xf32, #tpu.memory_space<vmem>>[vector<16xi32>, vector<16xi32>, vector<16xi32>, vector<16xi32>], vector<16xf32>,
        } {sc.loop_unroll_factor = 2 : i64, sc.parallel_access}
        %scan3A_300 = arith.constant 0 : i32
        scf.yield %scan3A_300 : i32
      }
      %scan3A_292 = arith.constant 8 : i32
      "tpu.region"() ({
        %run_scoped3A_294 = tpu.sem_alloc : memref<!tpu.dma_semaphore, #tpu.memory_space<semaphore_mem>>
        %dma_start3A_295 = arith.constant 0 : i32
        %dma_start3A_296 = arith.constant 0 : i32
        %dma_start3A_297 = arith.constant 0 : i32
        %dma_start3A_298 = tpu.memref_slice %arg5[%mul3A_269, %dma_start3A_295, %add3A, %dma_start3A_296, %dma_start3A_297] : memref<200x4x32x8x128xf32, #tpu.memory_space<hbm>> -> memref<8x4x1x8x128xf32, #tpu.memory_space<hbm>>
        %dma_start3A_299 = arith.constant 0 : i32
        %dma_start3A_300 = arith.constant 0 : i32
        %dma_start3A_301 = arith.constant 0 : i32
        %dma_start3A_302 = tpu.memref_slice %arg5[%mul3A_269, %dma_start3A_299, %add3A, %dma_start3A_300, %dma_start3A_301] : memref<200x4x32x8x128xf32, #tpu.memory_space<hbm>> -> memref<8x4x1x8x128xf32, #tpu.memory_space<hbm>>
        tpu.enqueue_dma source(%arg8 : memref<8x4x1x8x128xf32, #tpu.memory_space<vmem>>) target(%dma_start3A_302 : memref<8x4x1x8x128xf32, #tpu.memory_space<hbm>>) target_semaphore(%run_scoped3A_294 : memref<!tpu.dma_semaphore, #tpu.memory_space<semaphore_mem>>)
        %dma_wait3A_303 = arith.constant 0 : i32
        %dma_wait3A_304 = arith.constant 0 : i32
        %dma_wait3A_305 = arith.constant 0 : i32
        %dma_wait3A_306 = tpu.memref_slice %arg5[%mul3A_269, %dma_wait3A_303, %add3A, %dma_wait3A_304, %dma_wait3A_305] : memref<200x4x32x8x128xf32, #tpu.memory_space<hbm>> -> memref<8x4x1x8x128xf32, #tpu.memory_space<hbm>>
        %dma_wait3A_307 = arith.constant 0 : i32
        %dma_wait3A_308 = arith.constant 0 : i32
        %dma_wait3A_309 = arith.constant 0 : i32
        %dma_wait3A_310 = tpu.memref_slice %arg5[%mul3A_269, %dma_wait3A_307, %add3A, %dma_wait3A_308, %dma_wait3A_309] : memref<200x4x32x8x128xf32, #tpu.memory_space<hbm>> -> memref<8x4x1x8x128xf32, #tpu.memory_space<hbm>>
        tpu.wait_dma2 semaphore(%run_scoped3A_294 : memref<!tpu.dma_semaphore, #tpu.memory_space<semaphore_mem>>) src(%arg8 : memref<8x4x1x8x128xf32, #tpu.memory_space<vmem>>) dst(%dma_wait3A_310 : memref<8x4x1x8x128xf32, #tpu.memory_space<hbm>>)
        tpu.yield
      }) : () -> ()
      %scan3A_293 = arith.constant 0 : i32
      scf.yield %scan3A_293 : i32
    }
    %scan3A_134 = arith.constant 25 : i32
    %dma_wait3A = arith.constant 1 : i32
    %dma_wait3A_135 = arith.constant 0 : i32
    %dma_wait3A_136 = arith.constant 0 : i32
    %dma_wait3A_137 = arith.constant 0 : i32
    %dma_wait3A_138 = arith.constant 1 : i32
    %dma_wait3A_139 = arith.constant 0 : i32
    %dma_wait3A_140 = arith.constant 0 : i32
    %dma_wait3A_141 = arith.constant 0 : i32
    %dma_wait3A_142 = tpu.memref_slice %arg7[%dma_wait3A_138, %dma_wait3A_139, %dma_wait3A_140, %dma_wait3A_141] : memref<2x8x128x32xf32, #tpu.memory_space<vmem>> -> memref<1x1x128x32xf32, #tpu.memory_space<vmem>>
    %dma_wait3A_143 = tpu.memref_squeeze %dma_wait3A_142 : memref<1x1x128x32xf32, #tpu.memory_space<vmem>> -> memref<128x32xf32, #tpu.memory_space<vmem>>
    %dma_wait3A_144 = arith.constant 0 : i32
    %dma_wait3A_145 = tpu.memref_slice %arg6[%dma_wait3A, %dma_wait3A_135, %dma_wait3A_136, %dma_wait3A_137, %dma_wait3A_144] : memref<2x1x1x8x128xi32, #tpu.memory_space<vmem>> -> memref<1x1x1x1x128xi32, #tpu.memory_space<vmem>>
    %dma_wait3A_146 = tpu.memref_squeeze %dma_wait3A_145 : memref<1x1x1x1x128xi32, #tpu.memory_space<vmem>> -> memref<128xi32, #tpu.memory_space<vmem>>
    %dma_wait3A_147 = arith.constant 0 : i32
    %dma_wait3A_148 = arith.constant 0 : i32
    %dma_wait3A_149 = tpu.memref_slice %arg3[%dma_wait3A_147, %dma_wait3A_148] : memref<1000000x32xf32, #tpu.memory_space<hbm>> -> memref<1000000x32xf32, #tpu.memory_space<hbm>>
    tpu.wait_indirect_dma semaphore(%arg11 : memref<!tpu.dma_semaphore, #tpu.memory_space<semaphore_mem>>) src(%dma_wait3A_149 : memref<1000000x32xf32, #tpu.memory_space<hbm>>) dst(%dma_wait3A_143 : memref<128x32xf32, #tpu.memory_space<vmem>>)
    %dma_wait3A_150 = arith.constant 1 : i32
    %dma_wait3A_151 = arith.constant 0 : i32
    %dma_wait3A_152 = arith.constant 0 : i32
    %dma_wait3A_153 = arith.constant 1 : i32
    %dma_wait3A_154 = arith.constant 1 : i32
    %dma_wait3A_155 = arith.constant 1 : i32
    %dma_wait3A_156 = arith.constant 0 : i32
    %dma_wait3A_157 = arith.constant 0 : i32
    %dma_wait3A_158 = tpu.memref_slice %arg7[%dma_wait3A_154, %dma_wait3A_155, %dma_wait3A_156, %dma_wait3A_157] : memref<2x8x128x32xf32, #tpu.memory_space<vmem>> -> memref<1x1x128x32xf32, #tpu.memory_space<vmem>>
    %dma_wait3A_159 = tpu.memref_squeeze %dma_wait3A_158 : memref<1x1x128x32xf32, #tpu.memory_space<vmem>> -> memref<128x32xf32, #tpu.memory_space<vmem>>
    %dma_wait3A_160 = arith.constant 0 : i32
    %dma_wait3A_161 = tpu.memref_slice %arg6[%dma_wait3A_150, %dma_wait3A_151, %dma_wait3A_152, %dma_wait3A_153, %dma_wait3A_160] : memref<2x1x1x8x128xi32, #tpu.memory_space<vmem>> -> memref<1x1x1x1x128xi32, #tpu.memory_space<vmem>>
    %dma_wait3A_162 = tpu.memref_squeeze %dma_wait3A_161 : memref<1x1x1x1x128xi32, #tpu.memory_space<vmem>> -> memref<128xi32, #tpu.memory_space<vmem>>
    %dma_wait3A_163 = arith.constant 0 : i32
    %dma_wait3A_164 = arith.constant 0 : i32
    %dma_wait3A_165 = tpu.memref_slice %arg3[%dma_wait3A_163, %dma_wait3A_164] : memref<1000000x32xf32, #tpu.memory_space<hbm>> -> memref<1000000x32xf32, #tpu.memory_space<hbm>>
    tpu.wait_indirect_dma semaphore(%arg11 : memref<!tpu.dma_semaphore, #tpu.memory_space<semaphore_mem>>) src(%dma_wait3A_165 : memref<1000000x32xf32, #tpu.memory_space<hbm>>) dst(%dma_wait3A_159 : memref<128x32xf32, #tpu.memory_space<vmem>>)
    %dma_wait3A_166 = arith.constant 1 : i32
    %dma_wait3A_167 = arith.constant 0 : i32
    %dma_wait3A_168 = arith.constant 0 : i32
    %dma_wait3A_169 = arith.constant 2 : i32
    %dma_wait3A_170 = arith.constant 1 : i32
    %dma_wait3A_171 = arith.constant 2 : i32
    %dma_wait3A_172 = arith.constant 0 : i32
    %dma_wait3A_173 = arith.constant 0 : i32
    %dma_wait3A_174 = tpu.memref_slice %arg7[%dma_wait3A_170, %dma_wait3A_171, %dma_wait3A_172, %dma_wait3A_173] : memref<2x8x128x32xf32, #tpu.memory_space<vmem>> -> memref<1x1x128x32xf32, #tpu.memory_space<vmem>>
    %dma_wait3A_175 = tpu.memref_squeeze %dma_wait3A_174 : memref<1x1x128x32xf32, #tpu.memory_space<vmem>> -> memref<128x32xf32, #tpu.memory_space<vmem>>
    %dma_wait3A_176 = arith.constant 0 : i32
    %dma_wait3A_177 = tpu.memref_slice %arg6[%dma_wait3A_166, %dma_wait3A_167, %dma_wait3A_168, %dma_wait3A_169, %dma_wait3A_176] : memref<2x1x1x8x128xi32, #tpu.memory_space<vmem>> -> memref<1x1x1x1x128xi32, #tpu.memory_space<vmem>>
    %dma_wait3A_178 = tpu.memref_squeeze %dma_wait3A_177 : memref<1x1x1x1x128xi32, #tpu.memory_space<vmem>> -> memref<128xi32, #tpu.memory_space<vmem>>
    %dma_wait3A_179 = arith.constant 0 : i32
    %dma_wait3A_180 = arith.constant 0 : i32
    %dma_wait3A_181 = tpu.memref_slice %arg3[%dma_wait3A_179, %dma_wait3A_180] : memref<1000000x32xf32, #tpu.memory_space<hbm>> -> memref<1000000x32xf32, #tpu.memory_space<hbm>>
    tpu.wait_indirect_dma semaphore(%arg11 : memref<!tpu.dma_semaphore, #tpu.memory_space<semaphore_mem>>) src(%dma_wait3A_181 : memref<1000000x32xf32, #tpu.memory_space<hbm>>) dst(%dma_wait3A_175 : memref<128x32xf32, #tpu.memory_space<vmem>>)
    %dma_wait3A_182 = arith.constant 1 : i32
    %dma_wait3A_183 = arith.constant 0 : i32
    %dma_wait3A_184 = arith.constant 0 : i32
    %dma_wait3A_185 = arith.constant 3 : i32
    %dma_wait3A_186 = arith.constant 1 : i32
    %dma_wait3A_187 = arith.constant 3 : i32
    %dma_wait3A_188 = arith.constant 0 : i32
    %dma_wait3A_189 = arith.constant 0 : i32
    %dma_wait3A_190 = tpu.memref_slice %arg7[%dma_wait3A_186, %dma_wait3A_187, %dma_wait3A_188, %dma_wait3A_189] : memref<2x8x128x32xf32, #tpu.memory_space<vmem>> -> memref<1x1x128x32xf32, #tpu.memory_space<vmem>>
    %dma_wait3A_191 = tpu.memref_squeeze %dma_wait3A_190 : memref<1x1x128x32xf32, #tpu.memory_space<vmem>> -> memref<128x32xf32, #tpu.memory_space<vmem>>
    %dma_wait3A_192 = arith.constant 0 : i32
    %dma_wait3A_193 = tpu.memref_slice %arg6[%dma_wait3A_182, %dma_wait3A_183, %dma_wait3A_184, %dma_wait3A_185, %dma_wait3A_192] : memref<2x1x1x8x128xi32, #tpu.memory_space<vmem>> -> memref<1x1x1x1x128xi32, #tpu.memory_space<vmem>>
    %dma_wait3A_194 = tpu.memref_squeeze %dma_wait3A_193 : memref<1x1x1x1x128xi32, #tpu.memory_space<vmem>> -> memref<128xi32, #tpu.memory_space<vmem>>
    %dma_wait3A_195 = arith.constant 0 : i32
    %dma_wait3A_196 = arith.constant 0 : i32
    %dma_wait3A_197 = tpu.memref_slice %arg3[%dma_wait3A_195, %dma_wait3A_196] : memref<1000000x32xf32, #tpu.memory_space<hbm>> -> memref<1000000x32xf32, #tpu.memory_space<hbm>>
    tpu.wait_indirect_dma semaphore(%arg11 : memref<!tpu.dma_semaphore, #tpu.memory_space<semaphore_mem>>) src(%dma_wait3A_197 : memref<1000000x32xf32, #tpu.memory_space<hbm>>) dst(%dma_wait3A_191 : memref<128x32xf32, #tpu.memory_space<vmem>>)
    %dma_wait3A_198 = arith.constant 1 : i32
    %dma_wait3A_199 = arith.constant 0 : i32
    %dma_wait3A_200 = arith.constant 0 : i32
    %dma_wait3A_201 = arith.constant 4 : i32
    %dma_wait3A_202 = arith.constant 1 : i32
    %dma_wait3A_203 = arith.constant 4 : i32
    %dma_wait3A_204 = arith.constant 0 : i32
    %dma_wait3A_205 = arith.constant 0 : i32
    %dma_wait3A_206 = tpu.memref_slice %arg7[%dma_wait3A_202, %dma_wait3A_203, %dma_wait3A_204, %dma_wait3A_205] : memref<2x8x128x32xf32, #tpu.memory_space<vmem>> -> memref<1x1x128x32xf32, #tpu.memory_space<vmem>>
    %dma_wait3A_207 = tpu.memref_squeeze %dma_wait3A_206 : memref<1x1x128x32xf32, #tpu.memory_space<vmem>> -> memref<128x32xf32, #tpu.memory_space<vmem>>
    %dma_wait3A_208 = arith.constant 0 : i32
    %dma_wait3A_209 = tpu.memref_slice %arg6[%dma_wait3A_198, %dma_wait3A_199, %dma_wait3A_200, %dma_wait3A_201, %dma_wait3A_208] : memref<2x1x1x8x128xi32, #tpu.memory_space<vmem>> -> memref<1x1x1x1x128xi32, #tpu.memory_space<vmem>>
    %dma_wait3A_210 = tpu.memref_squeeze %dma_wait3A_209 : memref<1x1x1x1x128xi32, #tpu.memory_space<vmem>> -> memref<128xi32, #tpu.memory_space<vmem>>
    %dma_wait3A_211 = arith.constant 0 : i32
    %dma_wait3A_212 = arith.constant 0 : i32
    %dma_wait3A_213 = tpu.memref_slice %arg3[%dma_wait3A_211, %dma_wait3A_212] : memref<1000000x32xf32, #tpu.memory_space<hbm>> -> memref<1000000x32xf32, #tpu.memory_space<hbm>>
    tpu.wait_indirect_dma semaphore(%arg11 : memref<!tpu.dma_semaphore, #tpu.memory_space<semaphore_mem>>) src(%dma_wait3A_213 : memref<1000000x32xf32, #tpu.memory_space<hbm>>) dst(%dma_wait3A_207 : memref<128x32xf32, #tpu.memory_space<vmem>>)
    %dma_wait3A_214 = arith.constant 1 : i32
    %dma_wait3A_215 = arith.constant 0 : i32
    %dma_wait3A_216 = arith.constant 0 : i32
    %dma_wait3A_217 = arith.constant 5 : i32
    %dma_wait3A_218 = arith.constant 1 : i32
    %dma_wait3A_219 = arith.constant 5 : i32
    %dma_wait3A_220 = arith.constant 0 : i32
    %dma_wait3A_221 = arith.constant 0 : i32
    %dma_wait3A_222 = tpu.memref_slice %arg7[%dma_wait3A_218, %dma_wait3A_219, %dma_wait3A_220, %dma_wait3A_221] : memref<2x8x128x32xf32, #tpu.memory_space<vmem>> -> memref<1x1x128x32xf32, #tpu.memory_space<vmem>>
    %dma_wait3A_223 = tpu.memref_squeeze %dma_wait3A_222 : memref<1x1x128x32xf32, #tpu.memory_space<vmem>> -> memref<128x32xf32, #tpu.memory_space<vmem>>
    %dma_wait3A_224 = arith.constant 0 : i32
    %dma_wait3A_225 = tpu.memref_slice %arg6[%dma_wait3A_214, %dma_wait3A_215, %dma_wait3A_216, %dma_wait3A_217, %dma_wait3A_224] : memref<2x1x1x8x128xi32, #tpu.memory_space<vmem>> -> memref<1x1x1x1x128xi32, #tpu.memory_space<vmem>>
    %dma_wait3A_226 = tpu.memref_squeeze %dma_wait3A_225 : memref<1x1x1x1x128xi32, #tpu.memory_space<vmem>> -> memref<128xi32, #tpu.memory_space<vmem>>
    %dma_wait3A_227 = arith.constant 0 : i32
    %dma_wait3A_228 = arith.constant 0 : i32
    %dma_wait3A_229 = tpu.memref_slice %arg3[%dma_wait3A_227, %dma_wait3A_228] : memref<1000000x32xf32, #tpu.memory_space<hbm>> -> memref<1000000x32xf32, #tpu.memory_space<hbm>>
    tpu.wait_indirect_dma semaphore(%arg11 : memref<!tpu.dma_semaphore, #tpu.memory_space<semaphore_mem>>) src(%dma_wait3A_229 : memref<1000000x32xf32, #tpu.memory_space<hbm>>) dst(%dma_wait3A_223 : memref<128x32xf32, #tpu.memory_space<vmem>>)
    %dma_wait3A_230 = arith.constant 1 : i32
    %dma_wait3A_231 = arith.constant 0 : i32
    %dma_wait3A_232 = arith.constant 0 : i32
    %dma_wait3A_233 = arith.constant 6 : i32
    %dma_wait3A_234 = arith.constant 1 : i32
    %dma_wait3A_235 = arith.constant 6 : i32
    %dma_wait3A_236 = arith.constant 0 : i32
    %dma_wait3A_237 = arith.constant 0 : i32
    %dma_wait3A_238 = tpu.memref_slice %arg7[%dma_wait3A_234, %dma_wait3A_235, %dma_wait3A_236, %dma_wait3A_237] : memref<2x8x128x32xf32, #tpu.memory_space<vmem>> -> memref<1x1x128x32xf32, #tpu.memory_space<vmem>>
    %dma_wait3A_239 = tpu.memref_squeeze %dma_wait3A_238 : memref<1x1x128x32xf32, #tpu.memory_space<vmem>> -> memref<128x32xf32, #tpu.memory_space<vmem>>
    %dma_wait3A_240 = arith.constant 0 : i32
    %dma_wait3A_241 = tpu.memref_slice %arg6[%dma_wait3A_230, %dma_wait3A_231, %dma_wait3A_232, %dma_wait3A_233, %dma_wait3A_240] : memref<2x1x1x8x128xi32, #tpu.memory_space<vmem>> -> memref<1x1x1x1x128xi32, #tpu.memory_space<vmem>>
    %dma_wait3A_242 = tpu.memref_squeeze %dma_wait3A_241 : memref<1x1x1x1x128xi32, #tpu.memory_space<vmem>> -> memref<128xi32, #tpu.memory_space<vmem>>
    %dma_wait3A_243 = arith.constant 0 : i32
    %dma_wait3A_244 = arith.constant 0 : i32
    %dma_wait3A_245 = tpu.memref_slice %arg3[%dma_wait3A_243, %dma_wait3A_244] : memref<1000000x32xf32, #tpu.memory_space<hbm>> -> memref<1000000x32xf32, #tpu.memory_space<hbm>>
    tpu.wait_indirect_dma semaphore(%arg11 : memref<!tpu.dma_semaphore, #tpu.memory_space<semaphore_mem>>) src(%dma_wait3A_245 : memref<1000000x32xf32, #tpu.memory_space<hbm>>) dst(%dma_wait3A_239 : memref<128x32xf32, #tpu.memory_space<vmem>>)
    %dma_wait3A_246 = arith.constant 1 : i32
    %dma_wait3A_247 = arith.constant 0 : i32
    %dma_wait3A_248 = arith.constant 0 : i32
    %dma_wait3A_249 = arith.constant 7 : i32
    %dma_wait3A_250 = arith.constant 1 : i32
    %dma_wait3A_251 = arith.constant 7 : i32
    %dma_wait3A_252 = arith.constant 0 : i32
    %dma_wait3A_253 = arith.constant 0 : i32
    %dma_wait3A_254 = tpu.memref_slice %arg7[%dma_wait3A_250, %dma_wait3A_251, %dma_wait3A_252, %dma_wait3A_253] : memref<2x8x128x32xf32, #tpu.memory_space<vmem>> -> memref<1x1x128x32xf32, #tpu.memory_space<vmem>>
    %dma_wait3A_255 = tpu.memref_squeeze %dma_wait3A_254 : memref<1x1x128x32xf32, #tpu.memory_space<vmem>> -> memref<128x32xf32, #tpu.memory_space<vmem>>
    %dma_wait3A_256 = arith.constant 0 : i32
    %dma_wait3A_257 = tpu.memref_slice %arg6[%dma_wait3A_246, %dma_wait3A_247, %dma_wait3A_248, %dma_wait3A_249, %dma_wait3A_256] : memref<2x1x1x8x128xi32, #tpu.memory_space<vmem>> -> memref<1x1x1x1x128xi32, #tpu.memory_space<vmem>>
    %dma_wait3A_258 = tpu.memref_squeeze %dma_wait3A_257 : memref<1x1x1x1x128xi32, #tpu.memory_space<vmem>> -> memref<128xi32, #tpu.memory_space<vmem>>
    %dma_wait3A_259 = arith.constant 0 : i32
    %dma_wait3A_260 = arith.constant 0 : i32
    %dma_wait3A_261 = tpu.memref_slice %arg3[%dma_wait3A_259, %dma_wait3A_260] : memref<1000000x32xf32, #tpu.memory_space<hbm>> -> memref<1000000x32xf32, #tpu.memory_space<hbm>>
    tpu.wait_indirect_dma semaphore(%arg11 : memref<!tpu.dma_semaphore, #tpu.memory_space<semaphore_mem>>) src(%dma_wait3A_261 : memref<1000000x32xf32, #tpu.memory_space<hbm>>) dst(%dma_wait3A_255 : memref<128x32xf32, #tpu.memory_space<vmem>>)
    return
  }
}

</mosaic_0001>

<sc_bundles>
// kernel: kernel.3.cloned.1.call-start
scs
__scs_entry_jumppad:
0x0: {  	(pc) =	sbr.rel $0x88, $3  }
0x1: {  	(tag) =	ssettag $0x0;
	lr =	simm.s32 $0x1  }
0x2: {  	[smem:$0x3F9E] =	sst lr;
	_ =	strace $0xD0000000  }
0x3: {  	_ = 	snop  }
0x4: {  	_ = 	snop  }
0x5: {  	_ = 	snop  }
0x6: {  	_ = 	snop  }
0x7: {  	_ = 	snop  }
__scs_overlays_trampoline_lowered:
0x8: {  	[smem:$0x3FAD] =	sst s0  }
0x9: {  	[smem:$0x3FAE] =	sst s1  }
0xa: {  	[smem:$0x3FAF] =	sst s2  }
0xb: {  	[smem:$0x3FB0] =	sst s3  }
0xc: {  	[smem:$0x3FB1] =	sst s4  }
0xd: {  	[smem:$0x3FB2] =	sst s5  }
0xe: {  	[smem:$0x3FB3] =	sst s6  }
0xf: {  	[smem:$0x3FB4] =	sst s7  }
0x10: {  	[smem:$0x3FB5] =	sst s8  }
0x11: {  	[smem:$0x3FB6] =	sst s9;
	s0 =	simm.s32 @!p0 $0x0  }
0x12: {  	s1 =	sld [smem:$0x3F9C];
	s0 =	simm.s32 @p0 $0x1  }
0x13: {  	[smem:$0x3FB7] =	sst s0;
	s0 =	simm.s32 @!p1 $0x0  }
0x14: {  	s2 =	sld [smem:$0x3F9B];
	s0 =	simm.s32 @p1 $0x1  }
0x15: {  	[smem:$0x3FB8] =	sst s0;
	s0 =	simm.s32 @!p2 $0x0  }
0x16: {  	s3 =	sld [smem:$0x3FDB];
	s0 =	simm.s32 @p2 $0x1  }
0x17: {  	s4 =	simm.s32 $0x1BF5;
	[smem:$0x3FBA] =	sst s0  }
0x18: {  	s0 =	sld [smem:$0x3F9D];
	_ =	swait.ge [sflag:s4], $0x0  }
0x19: {  	s7 =	sld [smem:$0x3F9E]  }
0x1a: {  	s8 =	sadd.s32 $0xFFFFE003, lr  }
0x1b: {  	s9 =	sadd.s32 $0xFFFFFEF7, lr;
	s5 =	simm.s32 $0xFFFFFFFF;
	p2 =	slt.u32 s8, $0xFFFFF086  }
0x1c: {  	p1 =	slt.u32 s9, $0xF7A;
	s5 =	simm.s32 @!p2 $0x0  }
0x1d: {  	s5 =	simm.s32 @p1 $0x1;
	p0 =	seq.s32 s7, s2  }
0x1e: {  	s7 =	smul.u32 @!p0 $0xF7A, s2;
	p2 =	seq.s32 @!p0 s5, $0x0  }
0x1f: {  	s9 =	smul.u32 $0xF7A, s1;
	s8 =	simm.s32 @!p0 $0x1BF5;
	p2 =	por !p2, p0  }
0x20: {  	[sflag:s8] =	ssyncset.s32 @!p0 $0xFFFFF086;
	s6 =	sadd.s32 @!p0 s3, s7;
	s7 =	simm.s32 @!p0 $0x108  }
0x21: {  	s3 =	sadd.s32 s3, s9;
	s6 =	sadd.s32 @!p0 $0x88, s6;
	s7 =	simm.s32 @p2 $0x1082  }
0x22: {  	[simem:s7], [sflag:s8] =	dma.local @!p0 [hbm:s6], $0xF7A  }
0x23: {  	s9 =	sor.u32 $0xD0000000, s2;
	s6 =	simm.s32 $0x108;
	_ =	swait.ge @!p0 [sflag:s8], $0x0  }
0x24: {  	s3 =	sadd.s32 $0x88, s3;
	s6 =	simm.s32 @!p1 $0x1082;
	[sflag:s4] =	ssyncset.s32 $0xFFFFF086  }
0x25: {  	[simem:s6], [sflag:s4] =	dma.local [hbm:s3], $0xF7A  }
0x26: {  	[smem:$0x3F9E] =	sst s1;
	(tag) =	ssettag s2;
	_ =	strace s9  }
0x27: {  	s1 =	sld [smem:$0x3FAE]  }
0x28: {  	s2 =	sld [smem:$0x3FAF]  }
0x29: {  	s4 =	sld [smem:$0x3FB1]  }
0x2a: {  	p0 =	seq.s32 s5, $0x0;
	s5 =	sld [smem:$0x3FB2]  }
0x2b: {  	s6 =	sld [smem:$0x3FB3]  }
0x2c: {  	s7 =	sld [smem:$0x3FB4]  }
0x2d: {  	s3 =	simm.s32 $0x108;
	s8 =	sld [smem:$0x3FB5]  }
0x2e: {  	s3 =	simm.s32 @!p0 $0x1082;
	s9 =	sld [smem:$0x3FB6]  }
0x2f: {  	lr =	sadd.s32 s0, s3;
	s0 =	sld [smem:$0x3FAD]  }
0x30: {  	s3 =	sld [smem:$0x3FB0]  }
0x31: {  	[smem:$0x3FB9] =	sst s10  }
0x32: {  	s10 =	sld [smem:$0x3FB7];
	_ =	sdelay $0x3  }
0x33: {  	p0 =	seq.s32 s10, $0x1;
	s10 =	sld [smem:$0x3FB9];
	_ =	sdelay $0x3  }
0x34: {  	[smem:$0x3FB9] =	sst s10  }
0x35: {  	s10 =	sld [smem:$0x3FB8];
	_ =	sdelay $0x3  }
0x36: {  	p1 =	seq.s32 s10, $0x1;
	s10 =	sld [smem:$0x3FB9];
	_ =	sdelay $0x3  }
0x37: {  	[smem:$0x3FB9] =	sst s10  }
0x38: {  	s10 =	sld [smem:$0x3FBA]  }
0x39: {  	_ = 	snop;
	(pc) =	sbr.ind lr, $3  }
0x3a: {  	_ = 	snop  }
0x3b: {  	_ = 	snop  }
0x3c: {  	p2 =	seq.s32 s10, $0x1;
	s10 =	sld [smem:$0x3FB9]  }
0x3d: {  	_ =	shalt  }
0x3e: {  	_ =	shalt  }
0x3f: {  	_ =	shalt  }
0x40: {  	_ =	shalt  }
0x41: {  	_ =	shalt  }
0x42: {  	_ =	shalt  }
0x43: {  	_ =	shalt  }
0x44: {  	_ =	shalt  }
0x45: {  	_ =	shalt  }
0x46: {  	_ =	shalt  }
0x47: {  	_ =	shalt  }
0x48: {  	_ =	shalt  }
0x49: {  	_ =	shalt  }
0x4a: {  	_ =	shalt  }
0x4b: {  	_ =	shalt  }
0x4c: {  	_ =	shalt  }
0x4d: {  	_ =	shalt  }
0x4e: {  	_ =	shalt  }
0x4f: {  	_ =	shalt  }
0x50: {  	_ =	shalt  }
0x51: {  	_ =	shalt  }
0x52: {  	_ =	shalt  }
0x53: {  	_ =	shalt  }
0x54: {  	_ =	shalt  }
0x55: {  	_ =	shalt  }
0x56: {  	_ =	shalt  }
0x57: {  	_ =	shalt  }
0x58: {  	_ =	shalt  }
0x59: {  	_ =	shalt  }
0x5a: {  	_ =	shalt  }
0x5b: {  	_ =	shalt  }
0x5c: {  	_ =	shalt  }
0x5d: {  	_ =	shalt  }
0x5e: {  	_ =	shalt  }
0x5f: {  	_ =	shalt  }
0x60: {  	_ =	shalt  }
0x61: {  	_ =	shalt  }
0x62: {  	_ =	shalt  }
0x63: {  	_ =	shalt  }
0x64: {  	_ =	shalt  }
0x65: {  	_ =	shalt  }
0x66: {  	_ =	shalt  }
0x67: {  	_ =	shalt  }
0x68: {  	_ =	shalt  }
0x69: {  	_ =	shalt  }
0x6a: {  	_ =	shalt  }
0x6b: {  	_ =	shalt  }
0x6c: {  	_ =	shalt  }
0x6d: {  	_ =	shalt  }
0x6e: {  	_ =	shalt  }
0x6f: {  	_ =	shalt  }
0x70: {  	_ =	shalt  }
0x71: {  	_ =	shalt  }
0x72: {  	_ =	shalt  }
0x73: {  	_ =	shalt  }
0x74: {  	_ =	shalt  }
0x75: {  	_ =	shalt  }
0x76: {  	_ =	shalt  }
0x77: {  	_ =	shalt  }
0x78: {  	_ =	shalt  }
0x79: {  	_ =	shalt  }
0x7a: {  	_ =	shalt  }
0x7b: {  	_ =	shalt  }
0x7c: {  	_ =	shalt  }
0x7d: {  	_ =	shalt  }
0x7e: {  	_ =	shalt  }
0x7f: {  	_ =	shalt  }
0x80: {  	_ =	shalt  }
0x81: {  	_ =	shalt  }
0x82: {  	_ =	shalt  }
0x83: {  	_ =	shalt  }
0x84: {  	_ =	shalt  }
0x85: {  	_ =	shalt  }
0x86: {  	_ =	shalt  }
0x87: {  	_ =	shalt  }
.Lfunc_end0:
.L_simem_size_0:
called_computation_lowered:
.L_overlay_start_0:
0x88: {  	s2 =	sld [smem:$0x3FD9]  }
0x89: {  	s3 =	sld [smem:$0x3FFE];
	_ =	sdelay $0x1  }
0x8a: {  	s1 =	srdreg.scid  }
0x8b: {  	s0 =	sand.u32 $0x1, s1  }
0x8c: {  	s17 =	sshll.u32 s0, $0xA;
	s2 =	sadd.s32 s3, s2  }
0x8d: {  	s2 =	sadd.s32 s2, s17  }
0x8e: {  	[smem:$0x3FC5] =	sst s2  }
0x8f: {  	_ = 	snop  }
0x90: {  	s2 =	sld [smem:$0x3FC9]  }
0x91: {  	s18 =	sld [smem:$0x3FD0];
	(tm) =	ssettm $0x1  }
0x92: {  	s4 =	sld [smem:$0x3FFB];
	_ =	sdelay $0x3  }
0x93: {  	_ =	strace s4  }
0x94: {  	s4 =	sld [smem:$0x3FFC];
	_ =	sdelay $0x3  }
0x95: {  	_ =	strace s4  }
0x96: {  	s4 =	sld [smem:$0x3FFD];
	_ =	sdelay $0x3  }
0x97: {  	_ =	strace s4  }
0x98: {  	_ =	strace $0x8FFFFFFF  }
0x99: {  	s19 =	sld [smem:$0x3FDB];
	_ =	sdelay $0x1  }
0x9a: {  	s5 =	simm.s32 $_scs_section_size  }
0x9b: {  	s6 =	simm.s32 $_size__tile_overlayer_lowered;
	s7 =	simm.s32 $_tile_overlayer_lowered  }
0x9c: {  	s22 =	simm.s32 $0x1BFF;
	s21 =	sshll.u32 s7, $0x1;
	s4 =	sadd.s32 s5, s19  }
0x9d: {  	s8 =	simm.s32 $0x0;
	s20 =	sshll.u32 s6, $0x1;
	s6 =	sadd.s32 s21, s4  }
0x9e: {  	[timem:s8], [sflag:s22] =	dma.local [hbm:s6], s20  }
0x9f: {  	_ =	swait.ge [sflag:s22], s20  }
0xa0: {  	s5 =	ssub.s32 $0x0, s20;
	[sflag:s22] =	ssyncset.done $0x0  }
0xa1: {  	[sflag:s22] =	ssyncadd.s32 s5;
	_ =	sdelay $0x1  }
0xa2: {  	s23 =	simm.s32 $0x1B8B  }
0xa3: {  	_ =	swait.ge [sflag:s23], $0x1  }
0xa4: {  	[sflag:s23] =	ssyncset.done $0x0  }
0xa5: {  	s25 =	simm.s32 $0x1B8E;
	s24 =	sld [smem:$0x3FFE];
	[sflag:s23] =	ssyncadd.s32 $0xFFFFFFFF  }
0xa6: {  	s26 =	simm.s32 $execute0_lowered;
	[smem:$0x3FD2] =	sst s25  }
0xa7: {  	s6 =	sshll.u32 s26, $0x1;
	_ =	strace $0x80000046;
	[dreg:$0x1] =	wrdreg $0xFFFFFFFF  }
0xa8: {  	s28 =	simm.s32 $_size_execute0_lowered;
	s4 =	sadd.s32 s4, s6;
	[dreg:$0x0] =	wrdreg $0x0  }
0xa9: {  	s6 =	sshll.u32 s28, $0x1;
	[dreg:$0x2] =	wrdreg s4  }
0xaa: {  	[dreg:$0x3] =	wrdreg s6  }
0xab: {  	[dreg:$0x4] =	wrdreg $0xC0  }
0xac: {  	_ =	task [dreg:s8], $0x5FFFF  }
0xad: {  	[dreg:$0x1] =	wrdreg $0xFFFFFFFF  }
0xae: {  	[dreg:$0x0] =	wrdreg $0x60  }
0xaf: {  	[dreg:$0x2] =	wrdreg s2  }
0xb0: {  	[dreg:$0x3] =	wrdreg s24  }
0xb1: {  	[dreg:$0x4] =	wrdreg s18  }
0xb2: {  	[dreg:$0x5] =	wrdreg $0x9  }
0xb3: {  	_ =	task.clear_ibuf [dreg:s8], $0x6FFFF;
	_ =	strace $0x90000046  }
0xb4: {  	s29 =	simm.s32 $0x9;
	_ =	strace $0x80000048  }
0xb5: {  	_ =	swait.ge [sflag:s29], $0x1  }
0xb6: {  	[sflag:s29] =	ssyncadd.s32 $0xFFFFFFFF  }
0xb7: {  	_ =	strace $0x90000048  }
0xb8: {  	_ =	sfence  }
0xb9: {  	s30 =	sld [smem:$0x0];
	_ =	sdelay $0x2  }
0xba: {  	s31 =	sshll.u32 s1, $0xD;
	s1 =	sshrl.u32 s1, $0x2  }
0xbb: {  	s3 =	sand.u32 $0x4000, s31;
	s1 =	sadd.s32 s1, s30  }
0xbc: {  	s0 =	sor.u32 s3, s0;
	s1 =	sshll.u32 s1, $0x11  }
0xbd: {  	s0 =	sor.u32 s1, s0  }
0xbe: {  	s0 =	sadd.s32 $0x8F2B, s0  }
0xbf: {  	[sflag:s0] =	ssyncadd.remote.s32 $0x1  }
0xc0: {  	_ =	sfence.sel $0xFFFF  }
0xc1: {  	[dreg:$0x0] =	wrdreg $0xFFFFFFFF;
	(pc) =	sbr.abs _section_cstart, $3  }
0xc2: {  	[dreg:$0x1] =	wrdreg $0xFFFFFFFF  }
0xc3: {  	_ =	task.clear_ibuf [dreg:s8], $0x2FFFF;
	_ =	strace $0x9FFFFFFF  }
0xc4: {  	(tm) =	ssettm $0x7FFFFFFF  }
0xc5: {  	_ =	shalt  }
tec
execute0_lowered:
.L_overlay_start_1:
0x0: {  	(tag) =	ssettag $0x1  }
0x1: {  	s1 =	rddreg [dreg:$0x0]  }
0x2: {  	s0 =	rddreg [dreg:$0x1]  }
0x3: {  	s2 =	rddreg [dreg:$0x2]  }
0x4: {  	s4 =	simm.s32 $0x0;
	s3 =	srdreg.scid;
	s5 =	stileid.u32  }
0x5: {  	s10 =	simm.s32 $0x18800;
	s11 =	simm.s32 $0x3;
	s12 =	simm.s32 $0x80  }
0x6: {  	s22 =	simm.s32 $0x5800;
	s23 =	simm.s32 $0x300;
	s24 =	simm.s32 $0x6800  }
0x7: {  	s25 =	simm.s32 $0x380;
	s28 =	simm.s32 $0x400;
	s29 =	simm.s32 $0x8000  }
0x8: {  	v0 =	vlaneseq.u32;
	s30 =	simm.s32 $0x10800;
	s31 =	simm.s32 $0x2;
	[smem:$0x7FF] =	sst s4  }
0x9: {  	s3 =	sand.u32 $0x1, s3;
	s6 =	sshll.u32 s5, $0xB;
	s5 =	sadd.s32 $0xF42A00, s0;
	v1 =	vmul.u32 $0x20, v0;
	v3 =	vor.u32 $0x10, v0;
	v5 =	vor.u32 $0x20, v0  }
0xa: {  	s7 =	sadd.s32 $0x600, s0;
	v7 =	vor.u32 $0x30, v0;
	v9 =	vor.u32 $0x40, v0;
	v11 =	vor.u32 $0x50, v0;
	s8 =	ssub.s32 $0x2, s3;
	s3 =	sshll.u32 s3, $0xA  }
0xb: {  	v13 =	vor.u32 $0x60, v0;
	v15 =	vor.u32 $0x70, v0;
	s0 =	simm.s32 $0x0;
	s9 =	sshrl.u32 s8, $0x1;
	s6 =	sor.u32 s3, s6;
	v2 =	vor.u32 $0x200, v1  }
0xc: {  	_ =	strace $0x80000047;
	v4 =	vor.u32 $0x400, v1;
	v6 =	vor.u32 $0x600, v1;
	v8 =	vor.u32 $0x800, v1;
	s26 =	ssub.s32 s8, s9;
	s3 =	sshrl.u32 s6, $0x3  }
0xd: {  	v10 =	vor.u32 $0xA00, v1;
	v12 =	vor.u32 $0xC00, v1;
	v14 =	vor.u32 $0xE00, v1;
	s8 =	sadd.s32 s1, s3;
	s9 =	smax.u32 s26, $0x1;
	s26 =	simm.s32 $0x7800  }
.LBB2_1:
0xe: {  	[tilespmem:s10], [sflag:$0x3] =	stream.linear.gather [hbm4b:s7+s4], $0x1900, $0x38;
	[tilespmem:$0x1A100] =	vst v63  }
0xf: {  	_ =	swait.ge [sflag:s11], $0x1900  }
0x10: {  	[sflag:s11] =	ssyncset.done $0x0  }
0x11: {  	[sflag:s11] =	ssyncadd.s32 $0xFFFFE700  }
0x12: {  	[tilespmem:s4], [sflag:$0x3] =	stream.linear.gather [hbm4b:s8+s4], $0x400, $0x38;
	[tilespmem:$0x1A100] =	vst v63  }
0x13: {  	_ =	swait.ge [sflag:s11], $0x400  }
0x14: {  	[sflag:s11] =	ssyncset.done $0x0  }
0x15: {  	s3 =	simm.s32 $0x800;
	[sflag:s11] =	ssyncadd.s32 $0xFFFFFC00  }
0x16: {  	[tilespmem:s3], [sflag:$0x1] =	stream.indirect.gather [hbm4b:s5+s12], $0x20, s4, s12, $0xb8;
	[tilespmem:$0x1A100] =	vst v63  }
0x17: {  	s15 =	simm.s32 $0x1800  }
0x18: {  	[tilespmem:s15], [sflag:$0x1] =	stream.indirect.gather [hbm4b:s5+s12], $0x20, s12, s12, $0xb8;
	[tilespmem:$0x1A100] =	vst v63  }
0x19: {  	s16 =	simm.s32 $0x100;
	s13 =	simm.s32 $0x2800  }
0x1a: {  	[tilespmem:s13], [sflag:$0x1] =	stream.indirect.gather [hbm4b:s5+s12], $0x20, s16, s12, $0xb8;
	[tilespmem:$0x1A100] =	vst v63  }
0x1b: {  	s17 =	simm.s32 $0x180;
	s18 =	simm.s32 $0x3800  }
0x1c: {  	[tilespmem:s18], [sflag:$0x1] =	stream.indirect.gather [hbm4b:s5+s12], $0x20, s17, s12, $0xb8;
	[tilespmem:$0x1A100] =	vst v63  }
0x1d: {  	s19 =	simm.s32 $0x200;
	s20 =	simm.s32 $0x4800  }
0x1e: {  	[tilespmem:s20], [sflag:$0x1] =	stream.indirect.gather [hbm4b:s5+s12], $0x20, s19, s12, $0xb8;
	[tilespmem:$0x1A100] =	vst v63  }
0x1f: {  	s21 =	simm.s32 $0x280  }
0x20: {  	[tilespmem:s22], [sflag:$0x1] =	stream.indirect.gather [hbm4b:s5+s12], $0x20, s21, s12, $0xb8;
	[tilespmem:$0x1A100] =	vst v63  }
0x21: {  	_ = 	snop  }
0x22: {  	[tilespmem:s24], [sflag:$0x1] =	stream.indirect.gather [hbm4b:s5+s12], $0x20, s23, s12, $0xb8;
	[tilespmem:$0x1A100] =	vst v63  }
0x23: {  	s3 =	simm.s32 $0x0  }
0x24: {  	[tilespmem:s26], [sflag:$0x1] =	stream.indirect.gather [hbm4b:s5+s12], $0x20, s25, s12, $0xb8;
	[tilespmem:$0x1A100] =	vst v63  }
.LBB2_2:
0x25: {  	s13 =	sadd.s32 $0x1, s3  }
0x26: {  	s14 =	smin.u32 s13, $0x18  }
0x27: {  	s14 =	sshll.u32 s14, $0xF  }
0x28: {  	s15 =	sand.u32 $0x1, s3;
	s14 =	sor.u32 s6, s14  }
0x29: {  	p0 =	seq.s32 s15, $0x0;
	s14 =	sshrl.u32 s14, $0x3  }
0x2a: {  	s16 =	simm.s32 @p0 $0x0;
	s17 =	simm.s32 @p0 $0x400;
	s14 =	sadd.s32 s1, s14  }
0x2b: {  	[tilespmem:s17], [sflag:$0x3] =	stream.linear.gather @p0 [hbm4b:s14+s16], $0x400, $0x38;
	[tilespmem:$0x1A100] =	vst v63  }
0x2c: {  	s16 =	simm.s32 @p0 $0x3  }
0x2d: {  	_ =	swait.ge @p0 [sflag:s16], $0x400  }
0x2e: {  	[sflag:s16] =	ssyncset.done @p0 $0x0  }
0x2f: {  	s18 =	simm.s32 @p0 $0x8800;
	[sflag:s16] =	ssyncadd.s32 @p0 $0xFFFFFC00;
	s16 =	simm.s32 @p0 $0x80  }
0x30: {  	[tilespmem:s18], [sflag:$0x2] =	stream.indirect.gather @p0 [hbm4b:s5+s16], $0x20, s17, s16, $0xb8;
	[tilespmem:$0x1A100] =	vst v63  }
0x31: {  	s17 =	simm.s32 @p0 $0x480;
	s18 =	simm.s32 @p0 $0x9800  }
0x32: {  	[tilespmem:s18], [sflag:$0x2] =	stream.indirect.gather @p0 [hbm4b:s5+s16], $0x20, s17, s16, $0xb8;
	[tilespmem:$0x1A100] =	vst v63  }
0x33: {  	s17 =	simm.s32 @p0 $0x500;
	s18 =	simm.s32 @p0 $0xA800  }
0x34: {  	[tilespmem:s18], [sflag:$0x2] =	stream.indirect.gather @p0 [hbm4b:s5+s16], $0x20, s17, s16, $0xb8;
	[tilespmem:$0x1A100] =	vst v63  }
0x35: {  	s17 =	simm.s32 @p0 $0x580;
	s18 =	simm.s32 @p0 $0xB800  }
0x36: {  	[tilespmem:s18], [sflag:$0x2] =	stream.indirect.gather @p0 [hbm4b:s5+s16], $0x20, s17, s16, $0xb8;
	[tilespmem:$0x1A100] =	vst v63  }
0x37: {  	s17 =	simm.s32 @p0 $0x600;
	s18 =	simm.s32 @p0 $0xC800  }
0x38: {  	[tilespmem:s18], [sflag:$0x2] =	stream.indirect.gather @p0 [hbm4b:s5+s16], $0x20, s17, s16, $0xb8;
	[tilespmem:$0x1A100] =	vst v63  }
0x39: {  	s17 =	simm.s32 @p0 $0x680;
	s18 =	simm.s32 @p0 $0xD800  }
0x3a: {  	[tilespmem:s18], [sflag:$0x2] =	stream.indirect.gather @p0 [hbm4b:s5+s16], $0x20, s17, s16, $0xb8;
	[tilespmem:$0x1A100] =	vst v63  }
0x3b: {  	s17 =	simm.s32 @p0 $0x700;
	s18 =	simm.s32 @p0 $0xE800  }
0x3c: {  	[tilespmem:s18], [sflag:$0x2] =	stream.indirect.gather @p0 [hbm4b:s5+s16], $0x20, s17, s16, $0xb8;
	[tilespmem:$0x1A100] =	vst v63  }
0x3d: {  	s17 =	simm.s32 @p0 $0x780;
	s18 =	simm.s32 @p0 $0xF800  }
0x3e: {  	[tilespmem:s18], [sflag:$0x2] =	stream.indirect.gather @p0 [hbm4b:s5+s16], $0x20, s17, s16, $0xb8;
	[tilespmem:$0x1A100] =	vst v63  }
0x3f: {  	s16 =	simm.s32 @!p0 $0x0  }
0x40: {  	[tilespmem:s16], [sflag:$0x3] =	stream.linear.gather @!p0 [hbm4b:s14+s16], $0x400, $0x38;
	[tilespmem:$0x1A100] =	vst v63  }
0x41: {  	s14 =	simm.s32 @!p0 $0x3  }
0x42: {  	_ =	swait.ge @!p0 [sflag:s14], $0x400  }
0x43: {  	[sflag:s14] =	ssyncset.done @!p0 $0x0  }
0x44: {  	s17 =	simm.s32 @!p0 $0x800;
	[sflag:s14] =	ssyncadd.s32 @!p0 $0xFFFFFC00;
	s14 =	simm.s32 @!p0 $0x80  }
0x45: {  	[tilespmem:s17], [sflag:$0x1] =	stream.indirect.gather @!p0 [hbm4b:s5+s14], $0x20, s16, s14, $0xb8;
	[tilespmem:$0x1A100] =	vst v63  }
0x46: {  	s16 =	simm.s32 @!p0 $0x1800  }
0x47: {  	[tilespmem:s16], [sflag:$0x1] =	stream.indirect.gather @!p0 [hbm4b:s5+s14], $0x20, s14, s14, $0xb8;
	[tilespmem:$0x1A100] =	vst v63  }
0x48: {  	s17 =	simm.s32 @!p0 $0x2800;
	s16 =	simm.s32 @!p0 $0x100  }
0x49: {  	[tilespmem:s17], [sflag:$0x1] =	stream.indirect.gather @!p0 [hbm4b:s5+s14], $0x20, s16, s14, $0xb8;
	[tilespmem:$0x1A100] =	vst v63  }
0x4a: {  	s16 =	simm.s32 @!p0 $0x180;
	s17 =	simm.s32 @!p0 $0x3800  }
0x4b: {  	[tilespmem:s17], [sflag:$0x1] =	stream.indirect.gather @!p0 [hbm4b:s5+s14], $0x20, s16, s14, $0xb8;
	[tilespmem:$0x1A100] =	vst v63  }
0x4c: {  	s16 =	simm.s32 @!p0 $0x200;
	s17 =	simm.s32 @!p0 $0x4800  }
0x4d: {  	[tilespmem:s17], [sflag:$0x1] =	stream.indirect.gather @!p0 [hbm4b:s5+s14], $0x20, s16, s14, $0xb8;
	[tilespmem:$0x1A100] =	vst v63  }
0x4e: {  	s16 =	simm.s32 @!p0 $0x280;
	s17 =	simm.s32 @!p0 $0x5800  }
0x4f: {  	[tilespmem:s17], [sflag:$0x1] =	stream.indirect.gather @!p0 [hbm4b:s5+s14], $0x20, s16, s14, $0xb8;
	[tilespmem:$0x1A100] =	vst v63  }
0x50: {  	s16 =	simm.s32 @!p0 $0x300;
	s17 =	simm.s32 @!p0 $0x6800  }
0x51: {  	[tilespmem:s17], [sflag:$0x1] =	stream.indirect.gather @!p0 [hbm4b:s5+s14], $0x20, s16, s14, $0xb8;
	[tilespmem:$0x1A100] =	vst v63  }
0x52: {  	s16 =	simm.s32 @!p0 $0x380;
	s17 =	simm.s32 @!p0 $0x7800  }
0x53: {  	[tilespmem:s17], [sflag:$0x1] =	stream.indirect.gather @!p0 [hbm4b:s5+s14], $0x20, s16, s14, $0xb8;
	[tilespmem:$0x1A100] =	vst v63  }
0x54: {  	s16 =	simm.s32 @!p0 $0x2  }
0x55: {  	s16 =	simm.s32 @p0 $0x1  }
0x56: {  	_ =	swait.ge [sflag:s16], $0x1000  }
0x57: {  	[sflag:s16] =	ssyncset.done $0x0  }
0x58: {  	[sflag:s16] =	ssyncadd.s32 $0xFFFFF000  }
0x59: {  	_ =	swait.ge [sflag:s16], $0x1000  }
0x5a: {  	[sflag:s16] =	ssyncset.done $0x0  }
0x5b: {  	[sflag:s16] =	ssyncadd.s32 $0xFFFFF000  }
0x5c: {  	_ =	swait.ge [sflag:s16], $0x1000  }
0x5d: {  	[sflag:s16] =	ssyncset.done $0x0  }
0x5e: {  	[sflag:s16] =	ssyncadd.s32 $0xFFFFF000  }
0x5f: {  	_ =	swait.ge [sflag:s16], $0x1000  }
0x60: {  	[sflag:s16] =	ssyncset.done $0x0  }
0x61: {  	[sflag:s16] =	ssyncadd.s32 $0xFFFFF000  }
0x62: {  	_ =	swait.ge [sflag:s16], $0x1000  }
0x63: {  	[sflag:s16] =	ssyncset.done $0x0  }
0x64: {  	[sflag:s16] =	ssyncadd.s32 $0xFFFFF000  }
0x65: {  	_ =	swait.ge [sflag:s16], $0x1000  }
0x66: {  	[sflag:s16] =	ssyncset.done $0x0  }
0x67: {  	[sflag:s16] =	ssyncadd.s32 $0xFFFFF000  }
0x68: {  	_ =	swait.ge [sflag:s16], $0x1000  }
0x69: {  	[sflag:s16] =	ssyncset.done $0x0  }
0x6a: {  	[sflag:s16] =	ssyncadd.s32 $0xFFFFF000  }
0x6b: {  	s15 =	sshll.u32 s15, $0xF;
	_ =	swait.ge [sflag:s16], $0x1000  }
0x6c: {  	s15 =	sor.u32 $0x800, s15;
	s14 =	sshll.u32 s3, $0x3;
	[sflag:s16] =	ssyncset.done $0x0  }
0x6d: {  	s17 =	simm.s32 $0x0;
	[sflag:s16] =	ssyncadd.s32 $0xFFFFF000;
	s16 =	simm.s32 $0x0  }
.LBB2_3:
0x6e: {  	v16 =	vmov s16;
	v17 =	vadd.s32 s16, v0;
	s18 =	simm.s32 $0x1  }
0x6f: {  	v16 =	vand.u32 $0x10, v16;
	v18 =	vand.u32 $0xF, v17;
	v19 =	vmov s18  }
0x70: {  	s19 =	sadd.s32 s14, s17;
	v22 =	vadd.s32 s18, v0;
	v20 =	vand.u32 $0x7, v17;
	v16 =	vor.u32 v16, v18  }
0x71: {  	s19 =	sshll.u32 s19, $0x5;
	v19 =	vand.u32 $0x10, v19;
	v23 =	vand.u32 $0xF, v22;
	v18 =	vand.u32 $0x18, v16  }
0x72: {  	v28 =	vmov s19;
	v19 =	vor.u32 v19, v23;
	v21 =	vor.u32 v20, v18  }
0x73: {  	v23 =	vand.u32 $0x7, v22;
	v20 =	vand.u32 $0x18, v19;
	v18 =	vor.u32 v28, v21  }
0x74: {  	v24 =	vor.u32 v1, v21;
	v20 =	vor.u32 v23, v20  }
0x75: {  	v23 =	vor.u32 v28, v20  }
0x76: {  	v25 =	vor.u32 v1, v20  }
0x77: {  	s20 =	sshll.u32 s17, $0xC  }
0x78: {  	s18 =	sadd.s32 s20, s15;
	v17 =	vshll.u32 v17, $0x7;
	v16 =	vshll.u32 v16, $0x7;
	v18 =	vld.idx.msk [tilespmem:v18+s10+$0x0], $0xffff  }
0x79: {  	v17 =	vand.u32 $0x380, v17;
	v16 =	vand.u32 $0xC00, v16;
	v24 =	vld.idx.msk [tilespmem:v24+s18+$0x0], $0xffff  }
0x7a: {  	v22 =	vshll.u32 v22, $0x7;
	v19 =	vshll.u32 v19, $0x7;
	v17 =	vor.u32 v17, v16;
	v16 =	vld.idx.msk [tilespmem:v23+s10+$0x0], $0xffff  }
0x7b: {  	v22 =	vand.u32 $0x380, v22;
	v19 =	vand.u32 $0xC00, v19;
	v23 =	vor.u32 v0, v17;
	v25 =	vld.idx.msk [tilespmem:v25+s18+$0x0], $0xffff  }
0x7c: {  	v26 =	vor.u32 v2, v21;
	v19 =	vor.u32 v22, v19  }
0x7d: {  	v22 =	vor.u32 v0, v19  }
0x7e: {  	v27 =	vor.u32 v2, v20;
	v24 =	vadd.f32 v24, v18  }
0x7f: {  	s19 =	sadd.s32 $0x10800, s20  }
0x80: {  	[tilespmem:v23+s19+$0x0] =	vst.idx.msk $0xffff, v24;
	v23 =	vadd.f32 v25, v16  }
0x81: {  	s20 =	simm.s32 $0x2;
	v24 =	vld.idx.msk [tilespmem:v26+s18+$0x0], $0xffff  }
0x82: {  	v29 =	vadd.s32 s20, v0;
	v25 =	vmov s20;
	[tilespmem:v22+s19+$0x0] =	vst.idx.msk $0xffff, v23  }
0x83: {  	v22 =	vand.u32 $0x10, v25;
	v23 =	vand.u32 $0xF, v29;
	v25 =	vor.u32 v3, v17;
	v26 =	vld.idx.msk [tilespmem:v27+s18+$0x0], $0xffff  }
0x84: {  	v27 =	vor.u32 v22, v23;
	v22 =	vor.u32 v4, v21  }
0x85: {  	v30 =	vand.u32 $0x7, v29;
	v31 =	vor.u32 v3, v19;
	v23 =	vand.u32 $0x18, v27  }
0x86: {  	v23 =	vor.u32 v30, v23;
	v30 =	vor.u32 v4, v20;
	v24 =	vadd.f32 v24, v18  }
0x87: {  	s21 =	simm.s32 $0x3  }
0x88: {  	v33 =	vadd.s32 s21, v0;
	[tilespmem:v25+s19+$0x0] =	vst.idx.msk $0xffff, v24;
	v24 =	vmov s21;
	v25 =	vadd.f32 v26, v16  }
0x89: {  	v35 =	vor.u32 v1, v23;
	v34 =	vld.idx.msk [tilespmem:v22+s18+$0x0], $0xffff;
	v22 =	vand.u32 $0x10, v24;
	v24 =	vand.u32 $0xF, v33  }
0x8a: {  	v32 =	vor.u32 v28, v23;
	v36 =	vor.u32 v22, v24;
	[tilespmem:v31+s19+$0x0] =	vst.idx.msk $0xffff, v25  }
0x8b: {  	v24 =	vor.u32 v5, v17;
	v25 =	vand.u32 $0x7, v33;
	v22 =	vand.u32 $0x18, v36;
	v30 =	vld.idx.msk [tilespmem:v30+s18+$0x0], $0xffff  }
0x8c: {  	v31 =	vor.u32 v6, v21;
	v26 =	vor.u32 v25, v22  }
0x8d: {  	v44 =	vor.u32 v5, v19;
	v25 =	vshll.u32 v29, $0x7;
	v29 =	vor.u32 v28, v26  }
0x8e: {  	v37 =	vor.u32 v6, v20;
	v27 =	vshll.u32 v27, $0x7;
	v35 =	vld.idx.msk [tilespmem:v35+s18+$0x0], $0xffff;
	v34 =	vadd.f32 v34, v18  }
0x8f: {  	v27 =	vand.u32 $0xC00, v27;
	v22 =	vld.idx.msk [tilespmem:v32+s10+$0x0], $0xffff;
	v25 =	vand.u32 $0x380, v25;
	v38 =	vor.u32 v1, v26  }
0x90: {  	[tilespmem:v24+s19+$0x0] =	vst.idx.msk $0xffff, v34;
	v24 =	vor.u32 v25, v27;
	v27 =	vadd.f32 v30, v16  }
0x91: {  	v30 =	vld.idx.msk [tilespmem:v31+s18+$0x0], $0xffff;
	v31 =	vor.u32 v0, v24  }
0x92: {  	v25 =	vld.idx.msk [tilespmem:v29+s10+$0x0], $0xffff;
	v29 =	vor.u32 v2, v23;
	[tilespmem:v44+s19+$0x0] =	vst.idx.msk $0xffff, v27  }
0x93: {  	v47 =	vor.u32 v7, v17;
	v33 =	vshll.u32 v33, $0x7;
	v27 =	vshll.u32 v36, $0x7;
	v46 =	vld.idx.msk [tilespmem:v37+s18+$0x0], $0xffff  }
0x94: {  	v33 =	vand.u32 $0x380, v33;
	v45 =	vadd.f32 v35, v22;
	v48 =	vld.idx.msk [tilespmem:v38+s18+$0x0], $0xffff;
	v27 =	vand.u32 $0xC00, v27  }
0x95: {  	v49 =	vor.u32 v8, v21;
	v50 =	vor.u32 v7, v19;
	v27 =	vor.u32 v33, v27  }
0x96: {  	v52 =	vor.u32 v8, v20;
	[tilespmem:v31+s19+$0x0] =	vst.idx.msk $0xffff, v45;
	v31 =	vor.u32 v0, v27  }
0x97: {  	v41 =	vor.u32 v2, v26;
	v30 =	vadd.f32 v30, v18;
	v40 =	vld.idx.msk [tilespmem:v29+s18+$0x0], $0xffff  }
0x98: {  	v59 =	vor.u32 v9, v17;
	v58 =	vor.u32 v4, v23;
	s21 =	simm.s32 $0x4;
	v34 =	vadd.f32 v46, v16  }
0x99: {  	v39 =	vadd.s32 s21, v0;
	v56 =	vor.u32 v3, v24;
	v54 =	vadd.f32 v48, v25;
	[tilespmem:v47+s19+$0x0] =	vst.idx.msk $0xffff, v30  }
0x9a: {  	v51 =	vmov s21;
	s21 =	simm.s32 $0x5;
	v53 =	vand.u32 $0xF, v39;
	v57 =	vand.u32 $0x7, v39;
	v55 =	vld.idx.msk [tilespmem:v49+s18+$0x0], $0xffff;
	[tilespmem:v50+s19+$0x0] =	vst.idx.msk $0xffff, v34  }
0x9b: {  	v39 =	vshll.u32 v39, $0x7;
	v61 =	vmov s21;
	v32 =	vor.u32 v6, v23;
	[tilespmem:v31+s19+$0x0] =	vst.idx.msk $0xffff, v54;
	v31 =	vld.idx.msk [tilespmem:v52+s18+$0x0], $0xffff  }
0x9c: {  	v44 =	vor.u32 v10, v21;
	v29 =	vand.u32 $0x10, v51;
	v60 =	vadd.f32 v40, v22;
	v42 =	vld.idx.msk [tilespmem:v41+s18+$0x0], $0xffff  }
0x9d: {  	v38 =	vor.u32 v5, v24;
	v45 =	vor.u32 v9, v19;
	v30 =	vor.u32 v29, v53  }
0x9e: {  	v46 =	vor.u32 v3, v27;
	v47 =	vor.u32 v10, v20;
	v29 =	vand.u32 $0x18, v30;
	[tilespmem:v56+s19+$0x0] =	vst.idx.msk $0xffff, v60  }
0x9f: {  	v40 =	vand.u32 $0x380, v39;
	v41 =	vor.u32 v4, v26;
	v36 =	vadd.f32 v55, v18;
	v39 =	vld.idx.msk [tilespmem:v58+s18+$0x0], $0xffff  }
0xa0: {  	v43 =	vshll.u32 v30, $0x7;
	v29 =	vor.u32 v57, v29;
	v30 =	vadd.f32 v31, v16  }
0xa1: {  	v33 =	vor.u32 v28, v29;
	[tilespmem:v59+s19+$0x0] =	vst.idx.msk $0xffff, v36;
	v31 =	vadd.s32 s21, v0;
	v62 =	vadd.f32 v42, v25  }
0xa2: {  	v35 =	vand.u32 $0x10, v61;
	v34 =	vld.idx.msk [tilespmem:v44+s18+$0x0], $0xffff;
	v44 =	vor.u32 v1, v29;
	v63 =	vand.u32 $0xF, v31;
	[tilespmem:v45+s19+$0x0] =	vst.idx.msk $0xffff, v30  }
0xa3: {  	s20 =	simm.s32 $0x6;
	v36 =	vor.u32 v11, v17;
	v42 =	vor.u32 v35, v63;
	[tilespmem:v46+s19+$0x0] =	vst.idx.msk $0xffff, v62;
	v37 =	vld.idx.msk [tilespmem:v47+s18+$0x0], $0xffff  }
.LBB2_4:
0xa4: {  	p0 =	slt.u32 s20, $0x1E;
	v30 =	vand.u32 $0x18, v42;
	v35 =	vand.u32 $0x7, v31;
	v39 =	vadd.f32 v39, v22;
	v41 =	vld.idx.msk [tilespmem:v41+s18+$0x0], $0xffff;
	v45 =	vmovc v17;
	v17 =	vmovc v24  }
0xa5: {  	v24 =	vand.u32 $0xC00, v43;
	v43 =	vor.u32 v12, v21;
	v46 =	vmovc v16;
	v16 =	vmovc v25;
	v35 =	vor.u32 v35, v30  }
0xa6: {  	v30 =	vld.idx.msk [tilespmem:v33+s10+$0x0], $0xffff;
	v25 =	vor.u32 v28, v35;
	[tilespmem:v38+s19+$0x0] =	vst.idx.msk $0xffff, v39;
	v33 =	vor.u32 v11, v19  }
0xa7: {  	v39 =	vor.u32 v5, v27;
	v34 =	vadd.f32 v34, v18;
	v38 =	vld.idx.msk [tilespmem:v44+s18+$0x0], $0xffff;
	v44 =	vor.u32 v12, v20  }
0xa8: {  	v47 =	vmovc v19;
	v24 =	vor.u32 v40, v24;
	v40 =	vor.u32 v6, v26;
	v19 =	vmov v27;
	v32 =	vld.idx.msk [tilespmem:v32+s18+$0x0], $0xffff  }
0xa9: {  	v27 =	vor.u32 v1, v35;
	[tilespmem:v36+s19+$0x0] =	vst.idx.msk $0xffff, v34;
	v34 =	vadd.f32 v37, v46  }
0xaa: {  	v36 =	vmov s20;
	v37 =	vor.u32 v0, v24;
	v41 =	vadd.f32 v41, v16;
	v43 =	vld.idx.msk [tilespmem:v43+s18+$0x0], $0xffff  }
0xab: {  	v48 =	vadd.s32 s20, v0;
	v49 =	vor.u32 v14, v21;
	v36 =	vand.u32 $0x10, v36;
	v25 =	vld.idx.msk [tilespmem:v25+s10+$0x0], $0xffff;
	[tilespmem:v33+s19+$0x0] =	vst.idx.msk $0xffff, v34  }
0xac: {  	v33 =	vor.u32 v2, v29;
	v34 =	vor.u32 v8, v23;
	[tilespmem:v39+s19+$0x0] =	vst.idx.msk $0xffff, v41;
	v39 =	vld.idx.msk [tilespmem:v44+s18+$0x0], $0xffff  }
0xad: {  	v38 =	vadd.f32 v38, v30;
	v41 =	vor.u32 v7, v17;
	v44 =	vor.u32 v13, v45;
	v40 =	vld.idx.msk [tilespmem:v40+s18+$0x0], $0xffff  }
0xae: {  	v31 =	vshll.u32 v31, $0x7;
	v21 =	vmovc v23;
	v23 =	vmovc v29;
	v32 =	vadd.f32 v32, v22;
	v50 =	vld.idx.msk [tilespmem:v27+s18+$0x0], $0xffff;
	v27 =	vshll.u32 v42, $0x7  }
0xaf: {  	v29 =	vand.u32 $0x380, v31;
	v31 =	vor.u32 v13, v47;
	[tilespmem:v37+s19+$0x0] =	vst.idx.msk $0xffff, v38;
	v27 =	vand.u32 $0xC00, v27  }
0xb0: {  	v37 =	vor.u32 v14, v20;
	v20 =	vmovc v26;
	v27 =	vor.u32 v29, v27;
	v29 =	vor.u32 v7, v19  }
0xb1: {  	v42 =	vadd.f32 v43, v18;
	v38 =	vor.u32 v8, v20;
	v26 =	vld.idx.msk [tilespmem:v33+s18+$0x0], $0xffff;
	v33 =	vor.u32 v0, v27  }
0xb2: {  	v51 =	vor.u32 v2, v35;
	v43 =	vand.u32 $0xF, v48;
	[tilespmem:v41+s19+$0x0] =	vst.idx.msk $0xffff, v32;
	v32 =	vadd.f32 v39, v46  }
0xb3: {  	v36 =	vor.u32 v36, v43;
	v39 =	vadd.f32 v40, v16;
	v34 =	vld.idx.msk [tilespmem:v34+s18+$0x0], $0xffff;
	[tilespmem:v44+s19+$0x0] =	vst.idx.msk $0xffff, v42  }
0xb4: {  	v40 =	vor.u32 v3, v24;
	v41 =	vadd.f32 v50, v25;
	v42 =	vld.idx.msk [tilespmem:v49+s18+$0x0], $0xffff;
	[tilespmem:v31+s19+$0x0] =	vst.idx.msk $0xffff, v32  }
0xb5: {  	v43 =	vor.u32 v4, v23;
	v31 =	vand.u32 $0x18, v36;
	v32 =	vand.u32 $0x7, v48;
	[tilespmem:v29+s19+$0x0] =	vst.idx.msk $0xffff, v39;
	v37 =	vld.idx.msk [tilespmem:v37+s18+$0x0], $0xffff  }
0xb6: {  	v29 =	vor.u32 v32, v31;
	v31 =	vor.u32 v9, v17;
	[tilespmem:v33+s19+$0x0] =	vst.idx.msk $0xffff, v41;
	v44 =	vld.idx.msk [tilespmem:v38+s18+$0x0], $0xffff  }
0xb7: {  	v45 =	vor.u32 v15, v45;
	v50 =	vor.u32 v10, v21;
	v38 =	vadd.f32 v26, v30;
	v49 =	vld.idx.msk [tilespmem:v51+s18+$0x0], $0xffff  }
0xb8: {  	v47 =	vor.u32 v15, v47;
	v32 =	vor.u32 v6, v23;
	v33 =	vor.u32 v28, v29;
	v26 =	vmovc v35  }
0xb9: {  	v35 =	vshll.u32 v48, $0x7;
	v48 =	vor.u32 v9, v19;
	v34 =	vadd.f32 v34, v22;
	[tilespmem:v40+s19+$0x0] =	vst.idx.msk $0xffff, v38  }
0xba: {  	v52 =	vor.u32 v10, v20;
	v51 =	vor.u32 v3, v27;
	v42 =	vadd.f32 v42, v18;
	v39 =	vld.idx.msk [tilespmem:v43+s18+$0x0], $0xffff  }
.Ltmp0:
0xbb: {  	v41 =	vor.u32 v4, v26;
	v40 =	vand.u32 $0x380, v35;
	v35 =	vadd.f32 v37, v46;
	[tilespmem:v31+s19+$0x0] =	vst.idx.msk $0xffff, v34;
	(pc) =	sbr.rel @p0 .LBB2_4-.Ltmp0, $4  }
0xbc: {  	s21 =	sadd.s32 $0x1, s20;
	v38 =	vor.u32 v5, v24;
	v43 =	vshll.u32 v36, $0x7;
	v36 =	vadd.f32 v44, v16;
	[tilespmem:v45+s19+$0x0] =	vst.idx.msk $0xffff, v42  }
0xbd: {  	v18 =	vmovc v22;
	v37 =	vmov s21;
	v31 =	vadd.s32 s21, v0;
	v45 =	vadd.f32 v49, v25;
	v34 =	vld.idx.msk [tilespmem:v50+s18+$0x0], $0xffff;
	[tilespmem:v47+s19+$0x0] =	vst.idx.msk $0xffff, v35  }
0xbe: {  	v22 =	vmovc v30;
	v44 =	vor.u32 v1, v29;
	v35 =	vand.u32 $0x10, v37;
	v37 =	vand.u32 $0xF, v31;
	[tilespmem:v48+s19+$0x0] =	vst.idx.msk $0xffff, v36  }
0xbf: {  	s20 =	sadd.s32 $0x2, s20;
	v42 =	vor.u32 v35, v37;
	v36 =	vor.u32 v11, v17;
	[tilespmem:v51+s19+$0x0] =	vst.idx.msk $0xffff, v45;
	v37 =	vld.idx.msk [tilespmem:v52+s18+$0x0], $0xffff  }
0xc0: {  	v30 =	vand.u32 $0x18, v42;
	v35 =	vand.u32 $0x7, v31  }
0xc1: {  	v35 =	vor.u32 v35, v30  }
0xc2: {  	v30 =	vor.u32 v28, v35  }
0xc3: {  	v45 =	vor.u32 v1, v35;
	_ =	sdelay $0x1  }
0xc4: {  	v44 =	vld.idx.msk [tilespmem:v44+s18+$0x0], $0xffff  }
0xc5: {  	v28 =	vld.idx.msk [tilespmem:v33+s10+$0x0], $0xffff  }
0xc6: {  	v50 =	vand.u32 $0xC00, v43;
	v51 =	vshll.u32 v42, $0x7;
	v52 =	vshll.u32 v31, $0x7;
	v30 =	vld.idx.msk [tilespmem:v30+s10+$0x0], $0xffff  }
0xc7: {  	v31 =	vor.u32 v40, v50;
	v54 =	vand.u32 $0xC00, v51;
	v55 =	vand.u32 $0x380, v52;
	v53 =	vld.idx.msk [tilespmem:v45+s18+$0x0], $0xffff  }
0xc8: {  	v56 =	vor.u32 v0, v31;
	v33 =	vor.u32 v55, v54  }
0xc9: {  	v57 =	vor.u32 v2, v29;
	v58 =	vor.u32 v0, v33  }
0xca: {  	v46 =	vor.u32 v2, v35  }
0xcb: {  	v44 =	vadd.f32 v44, v28  }
0xcc: {  	v40 =	vadd.f32 v53, v30  }
0xcd: {  	[tilespmem:v56+s19+$0x0] =	vst.idx.msk $0xffff, v44  }
0xce: {  	v42 =	vld.idx.msk [tilespmem:v57+s18+$0x0], $0xffff;
	[tilespmem:v58+s19+$0x0] =	vst.idx.msk $0xffff, v40  }
0xcf: {  	v40 =	vld.idx.msk [tilespmem:v46+s18+$0x0], $0xffff  }
0xd0: {  	v59 =	vor.u32 v3, v31  }
0xd1: {  	v60 =	vor.u32 v4, v29;
	v61 =	vor.u32 v3, v33  }
0xd2: {  	v62 =	vor.u32 v4, v35  }
0xd3: {  	v42 =	vadd.f32 v42, v28  }
0xd4: {  	v40 =	vadd.f32 v40, v30  }
0xd5: {  	v41 =	vld.idx.msk [tilespmem:v41+s18+$0x0], $0xffff;
	[tilespmem:v59+s19+$0x0] =	vst.idx.msk $0xffff, v42  }
0xd6: {  	v42 =	vld.idx.msk [tilespmem:v60+s18+$0x0], $0xffff;
	[tilespmem:v61+s19+$0x0] =	vst.idx.msk $0xffff, v40  }
0xd7: {  	v63 =	vor.u32 v5, v27;
	v52 =	vld.idx.msk [tilespmem:v62+s18+$0x0], $0xffff  }
0xd8: {  	v39 =	vadd.f32 v39, v22;
	v54 =	vor.u32 v5, v31;
	v53 =	vor.u32 v6, v26  }
0xd9: {  	v55 =	vor.u32 v6, v29;
	v47 =	vor.u32 v5, v33  }
0xda: {  	v48 =	vor.u32 v6, v35;
	[tilespmem:v38+s19+$0x0] =	vst.idx.msk $0xffff, v39;
	v41 =	vadd.f32 v41, v25  }
0xdb: {  	v32 =	vld.idx.msk [tilespmem:v32+s18+$0x0], $0xffff;
	v56 =	vadd.f32 v42, v28  }
0xdc: {  	[tilespmem:v63+s19+$0x0] =	vst.idx.msk $0xffff, v41;
	v57 =	vadd.f32 v52, v30  }
0xdd: {  	v58 =	vor.u32 v7, v24;
	v40 =	vld.idx.msk [tilespmem:v53+s18+$0x0], $0xffff;
	[tilespmem:v54+s19+$0x0] =	vst.idx.msk $0xffff, v56  }
0xde: {  	v60 =	vor.u32 v8, v23;
	v59 =	vld.idx.msk [tilespmem:v55+s18+$0x0], $0xffff;
	[tilespmem:v47+s19+$0x0] =	vst.idx.msk $0xffff, v57  }
0xdf: {  	v61 =	vor.u32 v7, v27;
	v62 =	vld.idx.msk [tilespmem:v48+s18+$0x0], $0xffff  }
0xe0: {  	v63 =	vor.u32 v8, v26;
	v32 =	vadd.f32 v32, v22;
	v52 =	vor.u32 v7, v31  }
0xe1: {  	v53 =	vor.u32 v8, v29;
	v54 =	vor.u32 v7, v33  }
0xe2: {  	[tilespmem:v58+s19+$0x0] =	vst.idx.msk $0xffff, v32;
	v55 =	vor.u32 v8, v35;
	v40 =	vadd.f32 v40, v25  }
0xe3: {  	v38 =	vld.idx.msk [tilespmem:v60+s18+$0x0], $0xffff;
	v56 =	vadd.f32 v59, v28  }
0xe4: {  	[tilespmem:v61+s19+$0x0] =	vst.idx.msk $0xffff, v40;
	v57 =	vadd.f32 v62, v30  }
0xe5: {  	v58 =	vor.u32 v9, v24;
	v40 =	vld.idx.msk [tilespmem:v63+s18+$0x0], $0xffff;
	[tilespmem:v52+s19+$0x0] =	vst.idx.msk $0xffff, v56  }
0xe6: {  	v60 =	vor.u32 v10, v23;
	v59 =	vld.idx.msk [tilespmem:v53+s18+$0x0], $0xffff;
	[tilespmem:v54+s19+$0x0] =	vst.idx.msk $0xffff, v57  }
0xe7: {  	v61 =	vor.u32 v9, v27;
	v62 =	vld.idx.msk [tilespmem:v55+s18+$0x0], $0xffff  }
0xe8: {  	v38 =	vadd.f32 v38, v22;
	v63 =	vor.u32 v10, v26;
	v52 =	vor.u32 v9, v31  }
0xe9: {  	v53 =	vor.u32 v10, v29;
	v54 =	vor.u32 v9, v33  }
0xea: {  	[tilespmem:v58+s19+$0x0] =	vst.idx.msk $0xffff, v38;
	v40 =	vadd.f32 v40, v25;
	v55 =	vor.u32 v10, v35  }
0xeb: {  	v58 =	vor.u32 v12, v21;
	v39 =	vld.idx.msk [tilespmem:v60+s18+$0x0], $0xffff;
	v57 =	vadd.f32 v59, v28  }
0xec: {  	v56 =	vor.u32 v11, v19;
	[tilespmem:v61+s19+$0x0] =	vst.idx.msk $0xffff, v40;
	v59 =	vadd.f32 v62, v30  }
0xed: {  	v49 =	vor.u32 v12, v23;
	v60 =	vor.u32 v12, v20;
	v61 =	vld.idx.msk [tilespmem:v63+s18+$0x0], $0xffff;
	[tilespmem:v52+s19+$0x0] =	vst.idx.msk $0xffff, v57  }
0xee: {  	v34 =	vadd.f32 v34, v18;
	v63 =	vld.idx.msk [tilespmem:v53+s18+$0x0], $0xffff;
	v62 =	vor.u32 v11, v24;
	[tilespmem:v54+s19+$0x0] =	vst.idx.msk $0xffff, v59  }
0xef: {  	v50 =	vor.u32 v11, v27;
	v51 =	vor.u32 v12, v26;
	v37 =	vadd.f32 v37, v16;
	v41 =	vld.idx.msk [tilespmem:v55+s18+$0x0], $0xffff  }
0xf0: {  	[tilespmem:v36+s19+$0x0] =	vst.idx.msk $0xffff, v34;
	v39 =	vadd.f32 v39, v22;
	v52 =	vor.u32 v11, v31  }
0xf1: {  	v40 =	vld.idx.msk [tilespmem:v58+s18+$0x0], $0xffff;
	[tilespmem:v56+s19+$0x0] =	vst.idx.msk $0xffff, v37;
	v53 =	vor.u32 v12, v29;
	v54 =	vor.u32 v11, v33  }
0xf2: {  	v42 =	vld.idx.msk [tilespmem:v60+s18+$0x0], $0xffff;
	v43 =	vadd.f32 v61, v25;
	v55 =	vor.u32 v12, v35  }
0xf3: {  	v48 =	vor.u32 v14, v23;
	v57 =	vadd.f32 v63, v28;
	[tilespmem:v62+s19+$0x0] =	vst.idx.msk $0xffff, v39  }
0xf4: {  	v56 =	vor.u32 v13, v17;
	[tilespmem:v50+s19+$0x0] =	vst.idx.msk $0xffff, v43;
	v34 =	vld.idx.msk [tilespmem:v49+s18+$0x0], $0xffff;
	v59 =	vadd.f32 v41, v30  }
0xf5: {  	v58 =	vor.u32 v14, v21;
	v60 =	vor.u32 v13, v19;
	v32 =	vld.idx.msk [tilespmem:v51+s18+$0x0], $0xffff;
	[tilespmem:v52+s19+$0x0] =	vst.idx.msk $0xffff, v57  }
0xf6: {  	v61 =	vor.u32 v14, v20;
	v63 =	vor.u32 v13, v24;
	v45 =	vld.idx.msk [tilespmem:v53+s18+$0x0], $0xffff;
	[tilespmem:v54+s19+$0x0] =	vst.idx.msk $0xffff, v59  }
0xf7: {  	v46 =	vadd.f32 v42, v16;
	v62 =	vadd.f32 v40, v18;
	v49 =	vor.u32 v13, v27;
	v50 =	vld.idx.msk [tilespmem:v55+s18+$0x0], $0xffff  }
0xf8: {  	v51 =	vor.u32 v14, v26;
	v52 =	vor.u32 v13, v31;
	v53 =	vor.u32 v14, v29  }
0xf9: {  	[tilespmem:v56+s19+$0x0] =	vst.idx.msk $0xffff, v62;
	v54 =	vor.u32 v13, v33;
	v34 =	vadd.f32 v34, v22  }
0xfa: {  	[tilespmem:v60+s19+$0x0] =	vst.idx.msk $0xffff, v46;
	v35 =	vor.u32 v14, v35;
	v32 =	vadd.f32 v32, v25;
	v21 =	vld.idx.msk [tilespmem:v58+s18+$0x0], $0xffff  }
0xfb: {  	v20 =	vld.idx.msk [tilespmem:v61+s18+$0x0], $0xffff;
	v55 =	vadd.f32 v45, v28;
	[tilespmem:v63+s19+$0x0] =	vst.idx.msk $0xffff, v34  }
0xfc: {  	v17 =	vor.u32 v15, v17;
	[tilespmem:v49+s19+$0x0] =	vst.idx.msk $0xffff, v32;
	v23 =	vld.idx.msk [tilespmem:v48+s18+$0x0], $0xffff;
	v56 =	vadd.f32 v50, v30  }
0xfd: {  	v57 =	vor.u32 v15, v19;
	v26 =	vld.idx.msk [tilespmem:v51+s18+$0x0], $0xffff;
	[tilespmem:v52+s19+$0x0] =	vst.idx.msk $0xffff, v55  }
0xfe: {  	v58 =	vor.u32 v15, v24;
	v29 =	vld.idx.msk [tilespmem:v53+s18+$0x0], $0xffff;
	[tilespmem:v54+s19+$0x0] =	vst.idx.msk $0xffff, v56  }
0xff: {  	v60 =	vor.u32 v15, v27;
	v59 =	vadd.f32 v21, v18;
	v61 =	vld.idx.msk [tilespmem:v35+s18+$0x0], $0xffff  }
0x100: {  	s17 =	sadd.s32 $0x1, s17;
	v62 =	vor.u32 v15, v31;
	v16 =	vadd.f32 v20, v16  }
0x101: {  	p0 =	sne.s32 s17, $0x8;
	v63 =	vor.u32 v15, v33;
	[tilespmem:v17+s19+$0x0] =	vst.idx.msk $0xffff, v59;
	v17 =	vadd.f32 v23, v22  }
.Ltmp1:
0x102: {  	[tilespmem:v57+s19+$0x0] =	vst.idx.msk $0xffff, v16;
	v16 =	vadd.f32 v26, v25;
	(pc) =	sbr.rel @p0 .LBB2_3-.Ltmp1, $4  }
0x103: {  	[tilespmem:v58+s19+$0x0] =	vst.idx.msk $0xffff, v17;
	v17 =	vadd.f32 v29, v28  }
0x104: {  	[tilespmem:v60+s19+$0x0] =	vst.idx.msk $0xffff, v16;
	v16 =	vadd.f32 v61, v30  }
0x105: {  	[tilespmem:v62+s19+$0x0] =	vst.idx.msk $0xffff, v17  }
0x106: {  	[tilespmem:v63+s19+$0x0] =	vst.idx.msk $0xffff, v16  }
0x107: {  	s3 =	sshll.u32 s3, $0x14  }
0x108: {  	s3 =	sor.u32 s6, s3  }
0x109: {  	p0 =	sne.s32 s13, $0x19;
	s3 =	sshrl.u32 s3, $0x3  }
.Ltmp2:
0x10a: {  	s3 =	sadd.s32 s2, s3;
	(pc) =	sbr.rel @p0 .LBB2_2-.Ltmp2, $4  }
0x10b: {  	[hbm4b:s3+s28] =	stream.strided.scatter [tilespmem:s30], [sflag:$0x3], $0x8000, s29, s28, $0x38;
	[tilespmem:$0x1A100] =	vst v63  }
0x10c: {  	_ =	swait.ge [sflag:s11], $0x8000  }
0x10d: {  	[sflag:s11] =	ssyncset.done $0x0  }
0x10e: {  	s3 =	smov.u32 s13;
	[sflag:s11] =	ssyncadd.s32 $0xFFFF8000  }
0x10f: {  	_ =	swait.ge [sflag:s31], $0x1000  }
0x110: {  	[sflag:s31] =	ssyncset.done $0x0  }
0x111: {  	[sflag:s31] =	ssyncadd.s32 $0xFFFFF000  }
0x112: {  	_ =	swait.ge [sflag:s31], $0x1000  }
0x113: {  	[sflag:s31] =	ssyncset.done $0x0  }
0x114: {  	[sflag:s31] =	ssyncadd.s32 $0xFFFFF000  }
0x115: {  	_ =	swait.ge [sflag:s31], $0x1000  }
0x116: {  	[sflag:s31] =	ssyncset.done $0x0  }
0x117: {  	[sflag:s31] =	ssyncadd.s32 $0xFFFFF000  }
0x118: {  	_ =	swait.ge [sflag:s31], $0x1000  }
0x119: {  	[sflag:s31] =	ssyncset.done $0x0  }
0x11a: {  	[sflag:s31] =	ssyncadd.s32 $0xFFFFF000  }
0x11b: {  	_ =	swait.ge [sflag:s31], $0x1000  }
0x11c: {  	[sflag:s31] =	ssyncset.done $0x0  }
0x11d: {  	[sflag:s31] =	ssyncadd.s32 $0xFFFFF000  }
0x11e: {  	_ =	swait.ge [sflag:s31], $0x1000  }
0x11f: {  	[sflag:s31] =	ssyncset.done $0x0  }
0x120: {  	s0 =	sadd.s32 $0x1, s0;
	[sflag:s31] =	ssyncadd.s32 $0xFFFFF000  }
0x121: {  	p0 =	sne.s32 s0, s9;
	_ =	swait.ge [sflag:s31], $0x1000  }
.Ltmp3:
0x122: {  	[sflag:s31] =	ssyncset.done $0x0;
	(pc) =	sbr.rel @p0 .LBB2_1-.Ltmp3, $4  }
0x123: {  	[sflag:s31] =	ssyncadd.s32 $0xFFFFF000  }
0x124: {  	_ =	swait.ge [sflag:s31], $0x1000  }
0x125: {  	[sflag:s31] =	ssyncset.done $0x0  }
0x126: {  	[sflag:s31] =	ssyncadd.s32 $0xFFFFF000  }
0x127: {  	_ =	sfence.sel $0x180000  }
0x128: {  	[bflag:$0x0] =	sbarrier.arrive $0xFFFF  }
0x129: {  	_ =	strace $0x90000047  }
0x12a: {  	s0 =	stileid.u32;
	[bflag:$0x2] =	sbarrier.arrive $0xFFFF  }
0x12b: {  	p0 =	sne.s32 s0, $0x0;
	s0 =	rddreg [dreg:$0x3]  }
0x12c: {  	s0 =	sadd.s32 @!p0 $0x100000, s0  }
0x12d: {  	[sflag:s0] =	ssyncadd.tile.s32 @!p0 $0x1;
	_ =	shalt  }
.Lfunc_end2:
_tile_overlayer_lowered:
.L_overlay_start_2:
0x12e: {  	(tag) =	ssettag $0x2  }
0x12f: {  	s0 =	rddreg [dreg:$0x0];
	s2 =	stileid.u32  }
0x130: {  	s1 =	rddreg [dreg:$0x1];
	p0 =	sne.s32 s2, $0x0  }
0x131: {  	s3 =	rddreg [dreg:$0x2];
	[bflag:$0x3] =	sbarrier.arrive $0xFFFF;
	s2 =	simm.s32 @!p0 $0x1C03  }
0x132: {  	[timem:s3], [sflag:s2] =	dma.local @!p0 [hbm:s0], s1  }
0x133: {  	s0 =	simm.s32 @!p0 $0x3  }
0x134: {  	_ =	swait.ge @!p0 [sflag:s0], s1  }
0x135: {  	s1 =	ssub.s32 @!p0 $0x0, s1;
	[sflag:s0] =	ssyncset.done @!p0 $0x0  }
0x136: {  	[sflag:s0] =	ssyncadd.s32 @!p0 s1  }
0x137: {  	[bflag:$0x3] =	sbarrier.arrive $0xFFFF  }
0x138: {  	_ =	shalt  }

</sc_bundles>
